<compile_context>
chip_gen: v7x
topology: tpu7x:2x2x1
jax: 0.10.2.dev20260603
libtpu: 0.0.44.dev20260713+nightly
codegen_flags: <defaults>
</compile_context>

<pallas_src>
import functools

import jax
import jax.numpy as jnp
from jax import lax
from jax.experimental import pallas as pl
from jax.experimental.pallas import tpu as pltpu
from jax.experimental.pallas import tpu_sc as plsc

VOCAB = 1000000
EMBED = 64
BATCH = 4096
HIST = 200

NC = 2
NS = 16
NW = NC * NS
BPW = BATCH // NW
CHUNK = 100
CPB = HIST // CHUNK
NCHUNK = BPW * CPB
NBUF = 4
NACC = EMBED // 16

_HBLK = 12288
_RGRID = -(-VOCAB // (2 * _HBLK))
TROWS = 2 * _HBLK * _RGRID
_LASTBLK = (VOCAB - 1) // _HBLK


def _repack_body(a_ref, b_ref, o_ref):
    o_ref[:, 0:EMBED] = a_ref[...].T
    o_ref[:, EMBED:2 * EMBED] = b_ref[...].T


def _repack(table_t):
    return pl.pallas_call(
        _repack_body,
        grid=(_RGRID,),
        in_specs=[
            pl.BlockSpec((EMBED, _HBLK),
                         lambda i: (0, jnp.minimum(2 * i, _LASTBLK))),
            pl.BlockSpec((EMBED, _HBLK),
                         lambda i: (0, jnp.minimum(2 * i + 1, _LASTBLK))),
        ],
        out_specs=pl.BlockSpec((_HBLK, 2 * EMBED), lambda i: (i, 0)),
        out_shape=jax.ShapeDtypeStruct((TROWS // 2, 2 * EMBED), jnp.float32),
    )(table_t, table_t)


def _sc_pool(x2, tableb):
    mesh = plsc.VectorSubcoreMesh(core_axis_name="c", subcore_axis_name="s")

    @functools.partial(
        pl.kernel,
        out_type=jax.ShapeDtypeStruct((BATCH, EMBED), jnp.float32),
        mesh=mesh,
        compiler_params=pltpu.CompilerParams(use_tc_tiling_on_sc=False),
        scratch_types=[
            pltpu.VMEM((NCHUNK, CHUNK), jnp.int32),
            pltpu.VMEM((NBUF, CHUNK, EMBED), jnp.float32),
            pltpu.VMEM((BPW, EMBED), jnp.float32),
            pltpu.SemaphoreType.DMA,
            pltpu.SemaphoreType.DMA,
            pltpu.SemaphoreType.DMA,
            pltpu.SemaphoreType.DMA,
        ],
    )
    def pool(x_hbm, table_hbm, out_hbm, idx_v, rows_v, out_v, s0, s1, s2, s3):
        sems = (s0, s1, s2, s3)
        wid = lax.axis_index("s") * NC + lax.axis_index("c")
        pltpu.sync_copy(x_hbm.at[pl.ds(wid * NCHUNK, NCHUNK)], idx_v)

        def start(chunk, b):
            pltpu.make_async_copy(
                table_hbm.at[idx_v.at[chunk]], rows_v.at[b], sems[b]
            ).start()

        def wait(chunk, b):
            pltpu.make_async_copy(
                table_hbm.at[idx_v.at[chunk]], rows_v.at[b], sems[b]
            ).wait()

        for b in range(NBUF):
            start(b, b)

        def reduce_chunk(b, acc):
            def body(r, acc):
                return tuple(
                    acc[c] + rows_v[b, r, pl.ds(16 * c, 16)]
                    for c in range(NACC)
                )
            return lax.fori_loop(0, CHUNK, body, acc, unroll=4)

        zeros = tuple(jnp.zeros((16,), jnp.float32) for _ in range(NACC))

        def group(i, do_issue):
            j = i * NBUF
            for rr in range(NBUF // CPB):
                acc = zeros
                for cc in range(CPB):
                    b = rr * CPB + cc
                    chunk = j + b
                    wait(chunk, b)
                    acc = reduce_chunk(b, acc)
                    if do_issue:
                        start(chunk + NBUF, b)
                row = i * (NBUF // CPB) + rr
                for c in range(NACC):
                    out_v[row, pl.ds(16 * c, 16)] = acc[c]

        def loop_body(i, carry):
            group(i, True)
            return carry

        lax.fori_loop(0, NCHUNK // NBUF - 1, loop_body, 0)
        group(NCHUNK // NBUF - 1, False)

        pltpu.sync_copy(out_v, out_hbm.at[pl.ds(wid * BPW, BPW)])

    return pool(x2, tableb)


def _tc_finish_body(p_ref, w_ref, b_ref, bg_ref, bb_ref, lg_ref, lb_ref,
                    o_ref):
    p = p_ref[...] * (1.0 / HIST)
    h = lax.dot_general(
        p, w_ref[...], (((1,), (0,)), ((), ())),
        preferred_element_type=jnp.float32,
    )
    h = h + b_ref[...]
    m = jnp.mean(h, axis=0, keepdims=True)
    d = h - m
    v = jnp.mean(d * d, axis=0, keepdims=True)
    h = d * lax.rsqrt(v + 1e-5) * bg_ref[...] + bb_ref[...]
    lm = jnp.mean(h, axis=1, keepdims=True)
    ld = h - lm
    lv = jnp.mean(ld * ld, axis=1, keepdims=True)
    o_ref[...] = ld * lax.rsqrt(lv + 1e-5) * lg_ref[...] + lb_ref[...]


def _tc_finish(pooled, wt, b2, bg2, bb2, lg2, lb2):
    return pl.pallas_call(
        _tc_finish_body,
        out_shape=jax.ShapeDtypeStruct((BATCH, EMBED), jnp.float32),
    )(pooled, wt, b2, bg2, bb2, lg2, lb2)


def kernel(x, table, W, b, bn_gamma, bn_beta, ln_gamma, ln_beta):
    xi = x.astype(jnp.int32)
    span = 2 * _HBLK
    off = xi % span
    xv = (xi - off) + jnp.where(off < _HBLK, off << 1,
                                ((off - _HBLK) << 1) + 1)
    x2 = xv.reshape(BATCH * CPB, CHUNK)
    tb = _repack(table.T).reshape(TROWS, EMBED)
    pooled = _sc_pool(x2, tb)
    r = lambda t: t.reshape(1, EMBED)
    return _tc_finish(pooled, W.T, r(b), r(bn_gamma), r(bn_beta),
                      r(ln_gamma), r(ln_beta))

# --- scband reference (transcript-rebuilt; emitter-appended) ---
"""Pipeline reference for scband-word-embedding-model-41678362640805 (READ-ONLY COPY).

The authoritative reference and input builder live on the scoring server;
editing this copy changes nothing except your own understanding.
"""

import jax, jax.numpy as jnp
import numpy as np

VOCAB = 1000000
EMBED = 64
BATCH = 4096
HIST = 200


def setup_inputs(seed: int = 0) -> dict:
    key = jax.random.key(seed)
    k_idx, k_tab, k_w, k_b = jax.random.split(key, 4)
    x = jax.random.randint(k_idx, (BATCH, HIST), 0, VOCAB, dtype=jnp.int64) if jax.config.jax_enable_x64 else jax.random.randint(k_idx, (BATCH, HIST), 0, VOCAB).astype(jnp.int32)
    table = jax.random.normal(k_tab, (VOCAB, EMBED), dtype=jnp.float32)
    W = jax.random.normal(k_w, (EMBED, EMBED), dtype=jnp.float32) * (1.0 / np.sqrt(EMBED))
    b = jax.random.normal(k_b, (EMBED,), dtype=jnp.float32) * 0.01
    bn_gamma = jnp.ones((EMBED,), dtype=jnp.float32)
    bn_beta = jnp.zeros((EMBED,), dtype=jnp.float32)
    ln_gamma = jnp.ones((EMBED,), dtype=jnp.float32)
    ln_beta = jnp.zeros((EMBED,), dtype=jnp.float32)
    return {"x": x, "table": table, "W": W, "b": b, "bn_gamma": bn_gamma, "bn_beta": bn_beta, "ln_gamma": ln_gamma, "ln_beta": ln_beta}


def reference(x, table, W, b, bn_gamma, bn_beta, ln_gamma, ln_beta):
    # nn.Embedding: gather rows
    emb = jnp.take(table, x, axis=0)  # [B, L, D]
    # AdaptiveAvgPool1d(1) on [B, D, L] then squeeze -> mean over sequence dim
    pooled = jnp.mean(emb, axis=1)  # [B, D]
    # nn.Linear
    h = pooled @ W.T + b  # [B, D]
    # BatchNorm1d in training mode: batch statistics (biased variance)
    bn_mean = jnp.mean(h, axis=0)
    bn_var = jnp.var(h, axis=0)
    h = (h - bn_mean) / jnp.sqrt(bn_var + 1e-5) * bn_gamma + bn_beta
    # LayerNorm over last dim
    ln_mean = jnp.mean(h, axis=-1, keepdims=True)
    ln_var = jnp.var(h, axis=-1, keepdims=True)
    h = (h - ln_mean) / jnp.sqrt(ln_var + 1e-5) * ln_gamma + ln_beta
    return h

if __name__ == "__main__":
    import jax
    _d = setup_inputs()
    print(jax.jit(kernel)(*tuple(_d.values())))

</pallas_src>

<mosaic_0001>
#map = affine_map<(d0, d1) -> (0, 0)>
module attributes {stable_mosaic.version = 14 : i64} {
  func.func @pool(%arg0: i32, %arg1: i32, %arg2: memref<8192x100xi32, #tpu.memory_space<hbm>>, %arg3: memref<1007616x64xf32, #tpu.memory_space<hbm>>, %arg4: memref<4096x64xf32, #tpu.memory_space<hbm>>, %arg5: memref<256x100xi32, #tpu.memory_space<vmem>>, %arg6: memref<4x100x64xf32, #tpu.memory_space<vmem>>, %arg7: memref<128x64xf32, #tpu.memory_space<vmem>>, %arg8: memref<!tpu.dma_semaphore, #tpu.memory_space<semaphore_mem>>, %arg9: memref<!tpu.dma_semaphore, #tpu.memory_space<semaphore_mem>>, %arg10: memref<!tpu.dma_semaphore, #tpu.memory_space<semaphore_mem>>, %arg11: memref<!tpu.dma_semaphore, #tpu.memory_space<semaphore_mem>>) attributes {dimension_semantics = [#tpu.dimension_semantics<core_parallel>, #tpu.dimension_semantics<subcore_parallel>], iteration_bounds = array<i64: 2, 16>, scalar_prefetch = 0 : i64, scratch_operands = 7 : i64, tpu.core_type = #tpu.core_type<sc_vector_subcore>, window_params = [{transform_indices = #map}, {transform_indices = #map}, {transform_indices = #map}]} {
    %mul3A = arith.constant 2 : i32
    %mul3A_0 = arith.muli %arg1, %mul3A : i32
    %add3A = arith.addi %mul3A_0, %arg0 : i32
    %mul3A_1 = arith.constant 256 : i32
    %mul3A_2 = arith.muli %add3A, %mul3A_1 : i32
    "tpu.region"() ({
      %run_scoped3A = tpu.sem_alloc : memref<!tpu.dma_semaphore, #tpu.memory_space<semaphore_mem>>
      %dma_start3A_182 = arith.constant 0 : i32
      %dma_start3A_183 = tpu.memref_slice %arg2[%mul3A_2, %dma_start3A_182] : memref<8192x100xi32, #tpu.memory_space<hbm>> -> memref<256x100xi32, #tpu.memory_space<hbm>>
      %dma_start3A_184 = arith.constant 0 : i32
      %dma_start3A_185 = tpu.memref_slice %arg2[%mul3A_2, %dma_start3A_184] : memref<8192x100xi32, #tpu.memory_space<hbm>> -> memref<256x100xi32, #tpu.memory_space<hbm>>
      tpu.enqueue_dma source(%dma_start3A_185 : memref<256x100xi32, #tpu.memory_space<hbm>>) target(%arg5 : memref<256x100xi32, #tpu.memory_space<vmem>>) target_semaphore(%run_scoped3A : memref<!tpu.dma_semaphore, #tpu.memory_space<semaphore_mem>>)
      %dma_wait3A_186 = arith.constant 0 : i32
      %dma_wait3A_187 = tpu.memref_slice %arg2[%mul3A_2, %dma_wait3A_186] : memref<8192x100xi32, #tpu.memory_space<hbm>> -> memref<256x100xi32, #tpu.memory_space<hbm>>
      %dma_wait3A_188 = arith.constant 0 : i32
      %dma_wait3A_189 = tpu.memref_slice %arg2[%mul3A_2, %dma_wait3A_188] : memref<8192x100xi32, #tpu.memory_space<hbm>> -> memref<256x100xi32, #tpu.memory_space<hbm>>
      tpu.wait_dma2 semaphore(%run_scoped3A : memref<!tpu.dma_semaphore, #tpu.memory_space<semaphore_mem>>) src(%dma_wait3A_189 : memref<256x100xi32, #tpu.memory_space<hbm>>) dst(%arg5 : memref<256x100xi32, #tpu.memory_space<vmem>>)
      tpu.yield
    }) : () -> ()
    %dma_start3A = arith.constant 0 : i32
    %dma_start3A_3 = arith.constant 0 : i32
    %dma_start3A_4 = arith.constant 0 : i32
    %dma_start3A_5 = arith.constant 0 : i32
    %dma_start3A_6 = tpu.memref_slice %arg6[%dma_start3A_3, %dma_start3A_4, %dma_start3A_5] : memref<4x100x64xf32, #tpu.memory_space<vmem>> -> memref<1x100x64xf32, #tpu.memory_space<vmem>>
    %dma_start3A_7 = tpu.memref_squeeze %dma_start3A_6 : memref<1x100x64xf32, #tpu.memory_space<vmem>> -> memref<100x64xf32, #tpu.memory_space<vmem>>
    %dma_start3A_8 = arith.constant 0 : i32
    %dma_start3A_9 = tpu.memref_slice %arg5[%dma_start3A, %dma_start3A_8] : memref<256x100xi32, #tpu.memory_space<vmem>> -> memref<1x100xi32, #tpu.memory_space<vmem>>
    %dma_start3A_10 = tpu.memref_squeeze %dma_start3A_9 : memref<1x100xi32, #tpu.memory_space<vmem>> -> memref<100xi32, #tpu.memory_space<vmem>>
    %dma_start3A_11 = arith.constant 0 : i32
    %dma_start3A_12 = arith.constant 0 : i32
    %dma_start3A_13 = tpu.memref_slice %arg3[%dma_start3A_11, %dma_start3A_12] : memref<1007616x64xf32, #tpu.memory_space<hbm>> -> memref<1007616x64xf32, #tpu.memory_space<hbm>>
    tpu.enqueue_indirect_dma source(%dma_start3A_13 : memref<1007616x64xf32, #tpu.memory_space<hbm>>) target(%dma_start3A_7 : memref<100x64xf32, #tpu.memory_space<vmem>>) offsets(%dma_start3A_10 : memref<100xi32, #tpu.memory_space<vmem>>) semaphore(%arg8 : memref<!tpu.dma_semaphore, #tpu.memory_space<semaphore_mem>>)
    %dma_start3A_14 = arith.constant 1 : i32
    %dma_start3A_15 = arith.constant 1 : i32
    %dma_start3A_16 = arith.constant 0 : i32
    %dma_start3A_17 = arith.constant 0 : i32
    %dma_start3A_18 = tpu.memref_slice %arg6[%dma_start3A_15, %dma_start3A_16, %dma_start3A_17] : memref<4x100x64xf32, #tpu.memory_space<vmem>> -> memref<1x100x64xf32, #tpu.memory_space<vmem>>
    %dma_start3A_19 = tpu.memref_squeeze %dma_start3A_18 : memref<1x100x64xf32, #tpu.memory_space<vmem>> -> memref<100x64xf32, #tpu.memory_space<vmem>>
    %dma_start3A_20 = arith.constant 0 : i32
    %dma_start3A_21 = tpu.memref_slice %arg5[%dma_start3A_14, %dma_start3A_20] : memref<256x100xi32, #tpu.memory_space<vmem>> -> memref<1x100xi32, #tpu.memory_space<vmem>>
    %dma_start3A_22 = tpu.memref_squeeze %dma_start3A_21 : memref<1x100xi32, #tpu.memory_space<vmem>> -> memref<100xi32, #tpu.memory_space<vmem>>
    %dma_start3A_23 = arith.constant 0 : i32
    %dma_start3A_24 = arith.constant 0 : i32
    %dma_start3A_25 = tpu.memref_slice %arg3[%dma_start3A_23, %dma_start3A_24] : memref<1007616x64xf32, #tpu.memory_space<hbm>> -> memref<1007616x64xf32, #tpu.memory_space<hbm>>
    tpu.enqueue_indirect_dma source(%dma_start3A_25 : memref<1007616x64xf32, #tpu.memory_space<hbm>>) target(%dma_start3A_19 : memref<100x64xf32, #tpu.memory_space<vmem>>) offsets(%dma_start3A_22 : memref<100xi32, #tpu.memory_space<vmem>>) semaphore(%arg9 : memref<!tpu.dma_semaphore, #tpu.memory_space<semaphore_mem>>)
    %dma_start3A_26 = arith.constant 2 : i32
    %dma_start3A_27 = arith.constant 2 : i32
    %dma_start3A_28 = arith.constant 0 : i32
    %dma_start3A_29 = arith.constant 0 : i32
    %dma_start3A_30 = tpu.memref_slice %arg6[%dma_start3A_27, %dma_start3A_28, %dma_start3A_29] : memref<4x100x64xf32, #tpu.memory_space<vmem>> -> memref<1x100x64xf32, #tpu.memory_space<vmem>>
    %dma_start3A_31 = tpu.memref_squeeze %dma_start3A_30 : memref<1x100x64xf32, #tpu.memory_space<vmem>> -> memref<100x64xf32, #tpu.memory_space<vmem>>
    %dma_start3A_32 = arith.constant 0 : i32
    %dma_start3A_33 = tpu.memref_slice %arg5[%dma_start3A_26, %dma_start3A_32] : memref<256x100xi32, #tpu.memory_space<vmem>> -> memref<1x100xi32, #tpu.memory_space<vmem>>
    %dma_start3A_34 = tpu.memref_squeeze %dma_start3A_33 : memref<1x100xi32, #tpu.memory_space<vmem>> -> memref<100xi32, #tpu.memory_space<vmem>>
    %dma_start3A_35 = arith.constant 0 : i32
    %dma_start3A_36 = arith.constant 0 : i32
    %dma_start3A_37 = tpu.memref_slice %arg3[%dma_start3A_35, %dma_start3A_36] : memref<1007616x64xf32, #tpu.memory_space<hbm>> -> memref<1007616x64xf32, #tpu.memory_space<hbm>>
    tpu.enqueue_indirect_dma source(%dma_start3A_37 : memref<1007616x64xf32, #tpu.memory_space<hbm>>) target(%dma_start3A_31 : memref<100x64xf32, #tpu.memory_space<vmem>>) offsets(%dma_start3A_34 : memref<100xi32, #tpu.memory_space<vmem>>) semaphore(%arg10 : memref<!tpu.dma_semaphore, #tpu.memory_space<semaphore_mem>>)
    %dma_start3A_38 = arith.constant 3 : i32
    %dma_start3A_39 = arith.constant 3 : i32
    %dma_start3A_40 = arith.constant 0 : i32
    %dma_start3A_41 = arith.constant 0 : i32
    %dma_start3A_42 = tpu.memref_slice %arg6[%dma_start3A_39, %dma_start3A_40, %dma_start3A_41] : memref<4x100x64xf32, #tpu.memory_space<vmem>> -> memref<1x100x64xf32, #tpu.memory_space<vmem>>
    %dma_start3A_43 = tpu.memref_squeeze %dma_start3A_42 : memref<1x100x64xf32, #tpu.memory_space<vmem>> -> memref<100x64xf32, #tpu.memory_space<vmem>>
    %dma_start3A_44 = arith.constant 0 : i32
    %dma_start3A_45 = tpu.memref_slice %arg5[%dma_start3A_38, %dma_start3A_44] : memref<256x100xi32, #tpu.memory_space<vmem>> -> memref<1x100xi32, #tpu.memory_space<vmem>>
    %dma_start3A_46 = tpu.memref_squeeze %dma_start3A_45 : memref<1x100xi32, #tpu.memory_space<vmem>> -> memref<100xi32, #tpu.memory_space<vmem>>
    %dma_start3A_47 = arith.constant 0 : i32
    %dma_start3A_48 = arith.constant 0 : i32
    %dma_start3A_49 = tpu.memref_slice %arg3[%dma_start3A_47, %dma_start3A_48] : memref<1007616x64xf32, #tpu.memory_space<hbm>> -> memref<1007616x64xf32, #tpu.memory_space<hbm>>
    tpu.enqueue_indirect_dma source(%dma_start3A_49 : memref<1007616x64xf32, #tpu.memory_space<hbm>>) target(%dma_start3A_43 : memref<100x64xf32, #tpu.memory_space<vmem>>) offsets(%dma_start3A_46 : memref<100xi32, #tpu.memory_space<vmem>>) semaphore(%arg11 : memref<!tpu.dma_semaphore, #tpu.memory_space<semaphore_mem>>)
    %broadcast_in_dim3A = arith.constant 0.000000e+00 : f32
    %broadcast_in_dim3A_50 = vector.broadcast %broadcast_in_dim3A : f32 to vector<16xf32>
    %broadcast_in_dim3A_51 = arith.constant 0.000000e+00 : f32
    %broadcast_in_dim3A_52 = vector.broadcast %broadcast_in_dim3A_51 : f32 to vector<16xf32>
    %broadcast_in_dim3A_53 = arith.constant 0.000000e+00 : f32
    %broadcast_in_dim3A_54 = vector.broadcast %broadcast_in_dim3A_53 : f32 to vector<16xf32>
    %broadcast_in_dim3A_55 = arith.constant 0.000000e+00 : f32
    %broadcast_in_dim3A_56 = vector.broadcast %broadcast_in_dim3A_55 : f32 to vector<16xf32>
    %scan3A = arith.constant 0 : i32
    %scan3A_57 = arith.constant 0 : i32
    %scan3A_58 = arith.constant 63 : i32
    %scan3A_59 = arith.addi %scan3A_57, %scan3A_58 : i32
    %scan3A_60 = arith.constant 1 : i32
    scf.for %scan3A_182 = %scan3A_57 to %scan3A_59 step %scan3A_60  : i32 {
      %mul3A_183 = arith.constant 4 : i32
      %mul3A_184 = arith.muli %scan3A_182, %mul3A_183 : i32
      %add3A_185 = arith.constant 0 : i32
      %add3A_186 = arith.addi %mul3A_184, %add3A_185 : i32
      %dma_wait3A_187 = arith.constant 0 : i32
      %dma_wait3A_188 = arith.constant 0 : i32
      %dma_wait3A_189 = arith.constant 0 : i32
      %dma_wait3A_190 = tpu.memref_slice %arg6[%dma_wait3A_187, %dma_wait3A_188, %dma_wait3A_189] : memref<4x100x64xf32, #tpu.memory_space<vmem>> -> memref<1x100x64xf32, #tpu.memory_space<vmem>>
      %dma_wait3A_191 = tpu.memref_squeeze %dma_wait3A_190 : memref<1x100x64xf32, #tpu.memory_space<vmem>> -> memref<100x64xf32, #tpu.memory_space<vmem>>
      %dma_wait3A_192 = arith.constant 0 : i32
      %dma_wait3A_193 = tpu.memref_slice %arg5[%add3A_186, %dma_wait3A_192] : memref<256x100xi32, #tpu.memory_space<vmem>> -> memref<1x100xi32, #tpu.memory_space<vmem>>
      %dma_wait3A_194 = tpu.memref_squeeze %dma_wait3A_193 : memref<1x100xi32, #tpu.memory_space<vmem>> -> memref<100xi32, #tpu.memory_space<vmem>>
      %dma_wait3A_195 = arith.constant 0 : i32
      %dma_wait3A_196 = arith.constant 0 : i32
      %dma_wait3A_197 = tpu.memref_slice %arg3[%dma_wait3A_195, %dma_wait3A_196] : memref<1007616x64xf32, #tpu.memory_space<hbm>> -> memref<1007616x64xf32, #tpu.memory_space<hbm>>
      tpu.wait_indirect_dma semaphore(%arg8 : memref<!tpu.dma_semaphore, #tpu.memory_space<semaphore_mem>>) src(%dma_wait3A_197 : memref<1007616x64xf32, #tpu.memory_space<hbm>>) dst(%dma_wait3A_191 : memref<100x64xf32, #tpu.memory_space<vmem>>)
      %scan3A_198 = arith.constant 0 : i32
      %scan3A_199 = arith.constant 100 : i32
      %scan3A_200 = arith.addi %scan3A_198, %scan3A_199 : i32
      %scan3A_201 = arith.constant 4 : i32
      %scan3A_202:4 = scf.for %scan3A_361 = %scan3A_198 to %scan3A_200 step %scan3A_201 iter_args(%scan3A_362 = %broadcast_in_dim3A_50, %scan3A_363 = %broadcast_in_dim3A_52, %scan3A_364 = %broadcast_in_dim3A_54, %scan3A_365 = %broadcast_in_dim3A_56) -> (vector<16xf32>, vector<16xf32>, vector<16xf32>, vector<16xf32>)  : i32 {
        %get3A = arith.constant 0 : i32
        %get3A_366 = arith.index_cast %get3A : i32 to index
        %get3A_367 = arith.index_cast %scan3A_361 : i32 to index
        %get3A_368 = arith.constant 0 : index
        %get3A_369 = tpu.vector_load %arg6[%get3A_366, %get3A_367, %get3A_368] {strides = array<i32>} : memref<4x100x64xf32, #tpu.memory_space<vmem>>, vector<1x1x16xf32>,
        %get3A_370 = vector.shape_cast %get3A_369 : vector<1x1x16xf32> to vector<16xf32>
        %add3A_371 = arith.addf %scan3A_362, %get3A_370 : vector<16xf32>
        %get3A_372 = arith.constant 0 : i32
        %get3A_373 = arith.index_cast %get3A_372 : i32 to index
        %get3A_374 = arith.index_cast %scan3A_361 : i32 to index
        %get3A_375 = arith.constant 16 : index
        %get3A_376 = tpu.vector_load %arg6[%get3A_373, %get3A_374, %get3A_375] {strides = array<i32>} : memref<4x100x64xf32, #tpu.memory_space<vmem>>, vector<1x1x16xf32>,
        %get3A_377 = vector.shape_cast %get3A_376 : vector<1x1x16xf32> to vector<16xf32>
        %add3A_378 = arith.addf %scan3A_363, %get3A_377 : vector<16xf32>
        %get3A_379 = arith.constant 0 : i32
        %get3A_380 = arith.index_cast %get3A_379 : i32 to index
        %get3A_381 = arith.index_cast %scan3A_361 : i32 to index
        %get3A_382 = arith.constant 32 : index
        %get3A_383 = tpu.vector_load %arg6[%get3A_380, %get3A_381, %get3A_382] {strides = array<i32>} : memref<4x100x64xf32, #tpu.memory_space<vmem>>, vector<1x1x16xf32>,
        %get3A_384 = vector.shape_cast %get3A_383 : vector<1x1x16xf32> to vector<16xf32>
        %add3A_385 = arith.addf %scan3A_364, %get3A_384 : vector<16xf32>
        %get3A_386 = arith.constant 0 : i32
        %get3A_387 = arith.index_cast %get3A_386 : i32 to index
        %get3A_388 = arith.index_cast %scan3A_361 : i32 to index
        %get3A_389 = arith.constant 48 : index
        %get3A_390 = tpu.vector_load %arg6[%get3A_387, %get3A_388, %get3A_389] {strides = array<i32>} : memref<4x100x64xf32, #tpu.memory_space<vmem>>, vector<1x1x16xf32>,
        %get3A_391 = vector.shape_cast %get3A_390 : vector<1x1x16xf32> to vector<16xf32>
        %add3A_392 = arith.addf %scan3A_365, %get3A_391 : vector<16xf32>
        %scan3A_393 = arith.constant 1 : i32
        %scan3A_394 = arith.addi %scan3A_361, %scan3A_393 : i32
        %get3A_395 = arith.constant 0 : i32
        %get3A_396 = arith.index_cast %get3A_395 : i32 to index
        %get3A_397 = arith.index_cast %scan3A_394 : i32 to index
        %get3A_398 = arith.constant 0 : index
        %get3A_399 = tpu.vector_load %arg6[%get3A_396, %get3A_397, %get3A_398] {strides = array<i32>} : memref<4x100x64xf32, #tpu.memory_space<vmem>>, vector<1x1x16xf32>,
        %get3A_400 = vector.shape_cast %get3A_399 : vector<1x1x16xf32> to vector<16xf32>
        %add3A_401 = arith.addf %add3A_371, %get3A_400 : vector<16xf32>
        %get3A_402 = arith.constant 0 : i32
        %get3A_403 = arith.index_cast %get3A_402 : i32 to index
        %get3A_404 = arith.index_cast %scan3A_394 : i32 to index
        %get3A_405 = arith.constant 16 : index
        %get3A_406 = tpu.vector_load %arg6[%get3A_403, %get3A_404, %get3A_405] {strides = array<i32>} : memref<4x100x64xf32, #tpu.memory_space<vmem>>, vector<1x1x16xf32>,
        %get3A_407 = vector.shape_cast %get3A_406 : vector<1x1x16xf32> to vector<16xf32>
        %add3A_408 = arith.addf %add3A_378, %get3A_407 : vector<16xf32>
        %get3A_409 = arith.constant 0 : i32
        %get3A_410 = arith.index_cast %get3A_409 : i32 to index
        %get3A_411 = arith.index_cast %scan3A_394 : i32 to index
        %get3A_412 = arith.constant 32 : index
        %get3A_413 = tpu.vector_load %arg6[%get3A_410, %get3A_411, %get3A_412] {strides = array<i32>} : memref<4x100x64xf32, #tpu.memory_space<vmem>>, vector<1x1x16xf32>,
        %get3A_414 = vector.shape_cast %get3A_413 : vector<1x1x16xf32> to vector<16xf32>
        %add3A_415 = arith.addf %add3A_385, %get3A_414 : vector<16xf32>
        %get3A_416 = arith.constant 0 : i32
        %get3A_417 = arith.index_cast %get3A_416 : i32 to index
        %get3A_418 = arith.index_cast %scan3A_394 : i32 to index
        %get3A_419 = arith.constant 48 : index
        %get3A_420 = tpu.vector_load %arg6[%get3A_417, %get3A_418, %get3A_419] {strides = array<i32>} : memref<4x100x64xf32, #tpu.memory_space<vmem>>, vector<1x1x16xf32>,
        %get3A_421 = vector.shape_cast %get3A_420 : vector<1x1x16xf32> to vector<16xf32>
        %add3A_422 = arith.addf %add3A_392, %get3A_421 : vector<16xf32>
        %scan3A_423 = arith.constant 2 : i32
        %scan3A_424 = arith.addi %scan3A_361, %scan3A_423 : i32
        %get3A_425 = arith.constant 0 : i32
        %get3A_426 = arith.index_cast %get3A_425 : i32 to index
        %get3A_427 = arith.index_cast %scan3A_424 : i32 to index
        %get3A_428 = arith.constant 0 : index
        %get3A_429 = tpu.vector_load %arg6[%get3A_426, %get3A_427, %get3A_428] {strides = array<i32>} : memref<4x100x64xf32, #tpu.memory_space<vmem>>, vector<1x1x16xf32>,
        %get3A_430 = vector.shape_cast %get3A_429 : vector<1x1x16xf32> to vector<16xf32>
        %add3A_431 = arith.addf %add3A_401, %get3A_430 : vector<16xf32>
        %get3A_432 = arith.constant 0 : i32
        %get3A_433 = arith.index_cast %get3A_432 : i32 to index
        %get3A_434 = arith.index_cast %scan3A_424 : i32 to index
        %get3A_435 = arith.constant 16 : index
        %get3A_436 = tpu.vector_load %arg6[%get3A_433, %get3A_434, %get3A_435] {strides = array<i32>} : memref<4x100x64xf32, #tpu.memory_space<vmem>>, vector<1x1x16xf32>,
        %get3A_437 = vector.shape_cast %get3A_436 : vector<1x1x16xf32> to vector<16xf32>
        %add3A_438 = arith.addf %add3A_408, %get3A_437 : vector<16xf32>
        %get3A_439 = arith.constant 0 : i32
        %get3A_440 = arith.index_cast %get3A_439 : i32 to index
        %get3A_441 = arith.index_cast %scan3A_424 : i32 to index
        %get3A_442 = arith.constant 32 : index
        %get3A_443 = tpu.vector_load %arg6[%get3A_440, %get3A_441, %get3A_442] {strides = array<i32>} : memref<4x100x64xf32, #tpu.memory_space<vmem>>, vector<1x1x16xf32>,
        %get3A_444 = vector.shape_cast %get3A_443 : vector<1x1x16xf32> to vector<16xf32>
        %add3A_445 = arith.addf %add3A_415, %get3A_444 : vector<16xf32>
        %get3A_446 = arith.constant 0 : i32
        %get3A_447 = arith.index_cast %get3A_446 : i32 to index
        %get3A_448 = arith.index_cast %scan3A_424 : i32 to index
        %get3A_449 = arith.constant 48 : index
        %get3A_450 = tpu.vector_load %arg6[%get3A_447, %get3A_448, %get3A_449] {strides = array<i32>} : memref<4x100x64xf32, #tpu.memory_space<vmem>>, vector<1x1x16xf32>,
        %get3A_451 = vector.shape_cast %get3A_450 : vector<1x1x16xf32> to vector<16xf32>
        %add3A_452 = arith.addf %add3A_422, %get3A_451 : vector<16xf32>
        %scan3A_453 = arith.constant 3 : i32
        %scan3A_454 = arith.addi %scan3A_361, %scan3A_453 : i32
        %get3A_455 = arith.constant 0 : i32
        %get3A_456 = arith.index_cast %get3A_455 : i32 to index
        %get3A_457 = arith.index_cast %scan3A_454 : i32 to index
        %get3A_458 = arith.constant 0 : index
        %get3A_459 = tpu.vector_load %arg6[%get3A_456, %get3A_457, %get3A_458] {strides = array<i32>} : memref<4x100x64xf32, #tpu.memory_space<vmem>>, vector<1x1x16xf32>,
        %get3A_460 = vector.shape_cast %get3A_459 : vector<1x1x16xf32> to vector<16xf32>
        %add3A_461 = arith.addf %add3A_431, %get3A_460 : vector<16xf32>
        %get3A_462 = arith.constant 0 : i32
        %get3A_463 = arith.index_cast %get3A_462 : i32 to index
        %get3A_464 = arith.index_cast %scan3A_454 : i32 to index
        %get3A_465 = arith.constant 16 : index
        %get3A_466 = tpu.vector_load %arg6[%get3A_463, %get3A_464, %get3A_465] {strides = array<i32>} : memref<4x100x64xf32, #tpu.memory_space<vmem>>, vector<1x1x16xf32>,
        %get3A_467 = vector.shape_cast %get3A_466 : vector<1x1x16xf32> to vector<16xf32>
        %add3A_468 = arith.addf %add3A_438, %get3A_467 : vector<16xf32>
        %get3A_469 = arith.constant 0 : i32
        %get3A_470 = arith.index_cast %get3A_469 : i32 to index
        %get3A_471 = arith.index_cast %scan3A_454 : i32 to index
        %get3A_472 = arith.constant 32 : index
        %get3A_473 = tpu.vector_load %arg6[%get3A_470, %get3A_471, %get3A_472] {strides = array<i32>} : memref<4x100x64xf32, #tpu.memory_space<vmem>>, vector<1x1x16xf32>,
        %get3A_474 = vector.shape_cast %get3A_473 : vector<1x1x16xf32> to vector<16xf32>
        %add3A_475 = arith.addf %add3A_445, %get3A_474 : vector<16xf32>
        %get3A_476 = arith.constant 0 : i32
        %get3A_477 = arith.index_cast %get3A_476 : i32 to index
        %get3A_478 = arith.index_cast %scan3A_454 : i32 to index
        %get3A_479 = arith.constant 48 : index
        %get3A_480 = tpu.vector_load %arg6[%get3A_477, %get3A_478, %get3A_479] {strides = array<i32>} : memref<4x100x64xf32, #tpu.memory_space<vmem>>, vector<1x1x16xf32>,
        %get3A_481 = vector.shape_cast %get3A_480 : vector<1x1x16xf32> to vector<16xf32>
        %add3A_482 = arith.addf %add3A_452, %get3A_481 : vector<16xf32>
        scf.yield %add3A_461, %add3A_468, %add3A_475, %add3A_482 : vector<16xf32>, vector<16xf32>, vector<16xf32>, vector<16xf32>
      }
      %scan3A_203 = arith.constant 100 : i32
      %add3A_204 = arith.constant 4 : i32
      %add3A_205 = arith.addi %add3A_186, %add3A_204 : i32
      %dma_start3A_206 = arith.constant 0 : i32
      %dma_start3A_207 = arith.constant 0 : i32
      %dma_start3A_208 = arith.constant 0 : i32
      %dma_start3A_209 = tpu.memref_slice %arg6[%dma_start3A_206, %dma_start3A_207, %dma_start3A_208] : memref<4x100x64xf32, #tpu.memory_space<vmem>> -> memref<1x100x64xf32, #tpu.memory_space<vmem>>
      %dma_start3A_210 = tpu.memref_squeeze %dma_start3A_209 : memref<1x100x64xf32, #tpu.memory_space<vmem>> -> memref<100x64xf32, #tpu.memory_space<vmem>>
      %dma_start3A_211 = arith.constant 0 : i32
      %dma_start3A_212 = tpu.memref_slice %arg5[%add3A_205, %dma_start3A_211] : memref<256x100xi32, #tpu.memory_space<vmem>> -> memref<1x100xi32, #tpu.memory_space<vmem>>
      %dma_start3A_213 = tpu.memref_squeeze %dma_start3A_212 : memref<1x100xi32, #tpu.memory_space<vmem>> -> memref<100xi32, #tpu.memory_space<vmem>>
      %dma_start3A_214 = arith.constant 0 : i32
      %dma_start3A_215 = arith.constant 0 : i32
      %dma_start3A_216 = tpu.memref_slice %arg3[%dma_start3A_214, %dma_start3A_215] : memref<1007616x64xf32, #tpu.memory_space<hbm>> -> memref<1007616x64xf32, #tpu.memory_space<hbm>>
      tpu.enqueue_indirect_dma source(%dma_start3A_216 : memref<1007616x64xf32, #tpu.memory_space<hbm>>) target(%dma_start3A_210 : memref<100x64xf32, #tpu.memory_space<vmem>>) offsets(%dma_start3A_213 : memref<100xi32, #tpu.memory_space<vmem>>) semaphore(%arg8 : memref<!tpu.dma_semaphore, #tpu.memory_space<semaphore_mem>>)
      %add3A_217 = arith.constant 1 : i32
      %add3A_218 = arith.addi %mul3A_184, %add3A_217 : i32
      %dma_wait3A_219 = arith.constant 1 : i32
      %dma_wait3A_220 = arith.constant 0 : i32
      %dma_wait3A_221 = arith.constant 0 : i32
      %dma_wait3A_222 = tpu.memref_slice %arg6[%dma_wait3A_219, %dma_wait3A_220, %dma_wait3A_221] : memref<4x100x64xf32, #tpu.memory_space<vmem>> -> memref<1x100x64xf32, #tpu.memory_space<vmem>>
      %dma_wait3A_223 = tpu.memref_squeeze %dma_wait3A_222 : memref<1x100x64xf32, #tpu.memory_space<vmem>> -> memref<100x64xf32, #tpu.memory_space<vmem>>
      %dma_wait3A_224 = arith.constant 0 : i32
      %dma_wait3A_225 = tpu.memref_slice %arg5[%add3A_218, %dma_wait3A_224] : memref<256x100xi32, #tpu.memory_space<vmem>> -> memref<1x100xi32, #tpu.memory_space<vmem>>
      %dma_wait3A_226 = tpu.memref_squeeze %dma_wait3A_225 : memref<1x100xi32, #tpu.memory_space<vmem>> -> memref<100xi32, #tpu.memory_space<vmem>>
      %dma_wait3A_227 = arith.constant 0 : i32
      %dma_wait3A_228 = arith.constant 0 : i32
      %dma_wait3A_229 = tpu.memref_slice %arg3[%dma_wait3A_227, %dma_wait3A_228] : memref<1007616x64xf32, #tpu.memory_space<hbm>> -> memref<1007616x64xf32, #tpu.memory_space<hbm>>
      tpu.wait_indirect_dma semaphore(%arg9 : memref<!tpu.dma_semaphore, #tpu.memory_space<semaphore_mem>>) src(%dma_wait3A_229 : memref<1007616x64xf32, #tpu.memory_space<hbm>>) dst(%dma_wait3A_223 : memref<100x64xf32, #tpu.memory_space<vmem>>)
      %scan3A_230 = arith.constant 0 : i32
      %scan3A_231 = arith.constant 100 : i32
      %scan3A_232 = arith.addi %scan3A_230, %scan3A_231 : i32
      %scan3A_233 = arith.constant 4 : i32
      %scan3A_234:4 = scf.for %scan3A_361 = %scan3A_230 to %scan3A_232 step %scan3A_233 iter_args(%scan3A_362 = %scan3A_202#0, %scan3A_363 = %scan3A_202#1, %scan3A_364 = %scan3A_202#2, %scan3A_365 = %scan3A_202#3) -> (vector<16xf32>, vector<16xf32>, vector<16xf32>, vector<16xf32>)  : i32 {
        %get3A = arith.constant 1 : i32
        %get3A_366 = arith.index_cast %get3A : i32 to index
        %get3A_367 = arith.index_cast %scan3A_361 : i32 to index
        %get3A_368 = arith.constant 0 : index
        %get3A_369 = tpu.vector_load %arg6[%get3A_366, %get3A_367, %get3A_368] {strides = array<i32>} : memref<4x100x64xf32, #tpu.memory_space<vmem>>, vector<1x1x16xf32>,
        %get3A_370 = vector.shape_cast %get3A_369 : vector<1x1x16xf32> to vector<16xf32>
        %add3A_371 = arith.addf %scan3A_362, %get3A_370 : vector<16xf32>
        %get3A_372 = arith.constant 1 : i32
        %get3A_373 = arith.index_cast %get3A_372 : i32 to index
        %get3A_374 = arith.index_cast %scan3A_361 : i32 to index
        %get3A_375 = arith.constant 16 : index
        %get3A_376 = tpu.vector_load %arg6[%get3A_373, %get3A_374, %get3A_375] {strides = array<i32>} : memref<4x100x64xf32, #tpu.memory_space<vmem>>, vector<1x1x16xf32>,
        %get3A_377 = vector.shape_cast %get3A_376 : vector<1x1x16xf32> to vector<16xf32>
        %add3A_378 = arith.addf %scan3A_363, %get3A_377 : vector<16xf32>
        %get3A_379 = arith.constant 1 : i32
        %get3A_380 = arith.index_cast %get3A_379 : i32 to index
        %get3A_381 = arith.index_cast %scan3A_361 : i32 to index
        %get3A_382 = arith.constant 32 : index
        %get3A_383 = tpu.vector_load %arg6[%get3A_380, %get3A_381, %get3A_382] {strides = array<i32>} : memref<4x100x64xf32, #tpu.memory_space<vmem>>, vector<1x1x16xf32>,
        %get3A_384 = vector.shape_cast %get3A_383 : vector<1x1x16xf32> to vector<16xf32>
        %add3A_385 = arith.addf %scan3A_364, %get3A_384 : vector<16xf32>
        %get3A_386 = arith.constant 1 : i32
        %get3A_387 = arith.index_cast %get3A_386 : i32 to index
        %get3A_388 = arith.index_cast %scan3A_361 : i32 to index
        %get3A_389 = arith.constant 48 : index
        %get3A_390 = tpu.vector_load %arg6[%get3A_387, %get3A_388, %get3A_389] {strides = array<i32>} : memref<4x100x64xf32, #tpu.memory_space<vmem>>, vector<1x1x16xf32>,
        %get3A_391 = vector.shape_cast %get3A_390 : vector<1x1x16xf32> to vector<16xf32>
        %add3A_392 = arith.addf %scan3A_365, %get3A_391 : vector<16xf32>
        %scan3A_393 = arith.constant 1 : i32
        %scan3A_394 = arith.addi %scan3A_361, %scan3A_393 : i32
        %get3A_395 = arith.constant 1 : i32
        %get3A_396 = arith.index_cast %get3A_395 : i32 to index
        %get3A_397 = arith.index_cast %scan3A_394 : i32 to index
        %get3A_398 = arith.constant 0 : index
        %get3A_399 = tpu.vector_load %arg6[%get3A_396, %get3A_397, %get3A_398] {strides = array<i32>} : memref<4x100x64xf32, #tpu.memory_space<vmem>>, vector<1x1x16xf32>,
        %get3A_400 = vector.shape_cast %get3A_399 : vector<1x1x16xf32> to vector<16xf32>
        %add3A_401 = arith.addf %add3A_371, %get3A_400 : vector<16xf32>
        %get3A_402 = arith.constant 1 : i32
        %get3A_403 = arith.index_cast %get3A_402 : i32 to index
        %get3A_404 = arith.index_cast %scan3A_394 : i32 to index
        %get3A_405 = arith.constant 16 : index
        %get3A_406 = tpu.vector_load %arg6[%get3A_403, %get3A_404, %get3A_405] {strides = array<i32>} : memref<4x100x64xf32, #tpu.memory_space<vmem>>, vector<1x1x16xf32>,
        %get3A_407 = vector.shape_cast %get3A_406 : vector<1x1x16xf32> to vector<16xf32>
        %add3A_408 = arith.addf %add3A_378, %get3A_407 : vector<16xf32>
        %get3A_409 = arith.constant 1 : i32
        %get3A_410 = arith.index_cast %get3A_409 : i32 to index
        %get3A_411 = arith.index_cast %scan3A_394 : i32 to index
        %get3A_412 = arith.constant 32 : index
        %get3A_413 = tpu.vector_load %arg6[%get3A_410, %get3A_411, %get3A_412] {strides = array<i32>} : memref<4x100x64xf32, #tpu.memory_space<vmem>>, vector<1x1x16xf32>,
        %get3A_414 = vector.shape_cast %get3A_413 : vector<1x1x16xf32> to vector<16xf32>
        %add3A_415 = arith.addf %add3A_385, %get3A_414 : vector<16xf32>
        %get3A_416 = arith.constant 1 : i32
        %get3A_417 = arith.index_cast %get3A_416 : i32 to index
        %get3A_418 = arith.index_cast %scan3A_394 : i32 to index
        %get3A_419 = arith.constant 48 : index
        %get3A_420 = tpu.vector_load %arg6[%get3A_417, %get3A_418, %get3A_419] {strides = array<i32>} : memref<4x100x64xf32, #tpu.memory_space<vmem>>, vector<1x1x16xf32>,
        %get3A_421 = vector.shape_cast %get3A_420 : vector<1x1x16xf32> to vector<16xf32>
        %add3A_422 = arith.addf %add3A_392, %get3A_421 : vector<16xf32>
        %scan3A_423 = arith.constant 2 : i32
        %scan3A_424 = arith.addi %scan3A_361, %scan3A_423 : i32
        %get3A_425 = arith.constant 1 : i32
        %get3A_426 = arith.index_cast %get3A_425 : i32 to index
        %get3A_427 = arith.index_cast %scan3A_424 : i32 to index
        %get3A_428 = arith.constant 0 : index
        %get3A_429 = tpu.vector_load %arg6[%get3A_426, %get3A_427, %get3A_428] {strides = array<i32>} : memref<4x100x64xf32, #tpu.memory_space<vmem>>, vector<1x1x16xf32>,
        %get3A_430 = vector.shape_cast %get3A_429 : vector<1x1x16xf32> to vector<16xf32>
        %add3A_431 = arith.addf %add3A_401, %get3A_430 : vector<16xf32>
        %get3A_432 = arith.constant 1 : i32
        %get3A_433 = arith.index_cast %get3A_432 : i32 to index
        %get3A_434 = arith.index_cast %scan3A_424 : i32 to index
        %get3A_435 = arith.constant 16 : index
        %get3A_436 = tpu.vector_load %arg6[%get3A_433, %get3A_434, %get3A_435] {strides = array<i32>} : memref<4x100x64xf32, #tpu.memory_space<vmem>>, vector<1x1x16xf32>,
        %get3A_437 = vector.shape_cast %get3A_436 : vector<1x1x16xf32> to vector<16xf32>
        %add3A_438 = arith.addf %add3A_408, %get3A_437 : vector<16xf32>
        %get3A_439 = arith.constant 1 : i32
        %get3A_440 = arith.index_cast %get3A_439 : i32 to index
        %get3A_441 = arith.index_cast %scan3A_424 : i32 to index
        %get3A_442 = arith.constant 32 : index
        %get3A_443 = tpu.vector_load %arg6[%get3A_440, %get3A_441, %get3A_442] {strides = array<i32>} : memref<4x100x64xf32, #tpu.memory_space<vmem>>, vector<1x1x16xf32>,
        %get3A_444 = vector.shape_cast %get3A_443 : vector<1x1x16xf32> to vector<16xf32>
        %add3A_445 = arith.addf %add3A_415, %get3A_444 : vector<16xf32>
        %get3A_446 = arith.constant 1 : i32
        %get3A_447 = arith.index_cast %get3A_446 : i32 to index
        %get3A_448 = arith.index_cast %scan3A_424 : i32 to index
        %get3A_449 = arith.constant 48 : index
        %get3A_450 = tpu.vector_load %arg6[%get3A_447, %get3A_448, %get3A_449] {strides = array<i32>} : memref<4x100x64xf32, #tpu.memory_space<vmem>>, vector<1x1x16xf32>,
        %get3A_451 = vector.shape_cast %get3A_450 : vector<1x1x16xf32> to vector<16xf32>
        %add3A_452 = arith.addf %add3A_422, %get3A_451 : vector<16xf32>
        %scan3A_453 = arith.constant 3 : i32
        %scan3A_454 = arith.addi %scan3A_361, %scan3A_453 : i32
        %get3A_455 = arith.constant 1 : i32
        %get3A_456 = arith.index_cast %get3A_455 : i32 to index
        %get3A_457 = arith.index_cast %scan3A_454 : i32 to index
        %get3A_458 = arith.constant 0 : index
        %get3A_459 = tpu.vector_load %arg6[%get3A_456, %get3A_457, %get3A_458] {strides = array<i32>} : memref<4x100x64xf32, #tpu.memory_space<vmem>>, vector<1x1x16xf32>,
        %get3A_460 = vector.shape_cast %get3A_459 : vector<1x1x16xf32> to vector<16xf32>
        %add3A_461 = arith.addf %add3A_431, %get3A_460 : vector<16xf32>
        %get3A_462 = arith.constant 1 : i32
        %get3A_463 = arith.index_cast %get3A_462 : i32 to index
        %get3A_464 = arith.index_cast %scan3A_454 : i32 to index
        %get3A_465 = arith.constant 16 : index
        %get3A_466 = tpu.vector_load %arg6[%get3A_463, %get3A_464, %get3A_465] {strides = array<i32>} : memref<4x100x64xf32, #tpu.memory_space<vmem>>, vector<1x1x16xf32>,
        %get3A_467 = vector.shape_cast %get3A_466 : vector<1x1x16xf32> to vector<16xf32>
        %add3A_468 = arith.addf %add3A_438, %get3A_467 : vector<16xf32>
        %get3A_469 = arith.constant 1 : i32
        %get3A_470 = arith.index_cast %get3A_469 : i32 to index
        %get3A_471 = arith.index_cast %scan3A_454 : i32 to index
        %get3A_472 = arith.constant 32 : index
        %get3A_473 = tpu.vector_load %arg6[%get3A_470, %get3A_471, %get3A_472] {strides = array<i32>} : memref<4x100x64xf32, #tpu.memory_space<vmem>>, vector<1x1x16xf32>,
        %get3A_474 = vector.shape_cast %get3A_473 : vector<1x1x16xf32> to vector<16xf32>
        %add3A_475 = arith.addf %add3A_445, %get3A_474 : vector<16xf32>
        %get3A_476 = arith.constant 1 : i32
        %get3A_477 = arith.index_cast %get3A_476 : i32 to index
        %get3A_478 = arith.index_cast %scan3A_454 : i32 to index
        %get3A_479 = arith.constant 48 : index
        %get3A_480 = tpu.vector_load %arg6[%get3A_477, %get3A_478, %get3A_479] {strides = array<i32>} : memref<4x100x64xf32, #tpu.memory_space<vmem>>, vector<1x1x16xf32>,
        %get3A_481 = vector.shape_cast %get3A_480 : vector<1x1x16xf32> to vector<16xf32>
        %add3A_482 = arith.addf %add3A_452, %get3A_481 : vector<16xf32>
        scf.yield %add3A_461, %add3A_468, %add3A_475, %add3A_482 : vector<16xf32>, vector<16xf32>, vector<16xf32>, vector<16xf32>
      }
      %scan3A_235 = arith.constant 100 : i32
      %add3A_236 = arith.constant 4 : i32
      %add3A_237 = arith.addi %add3A_218, %add3A_236 : i32
      %dma_start3A_238 = arith.constant 1 : i32
      %dma_start3A_239 = arith.constant 0 : i32
      %dma_start3A_240 = arith.constant 0 : i32
      %dma_start3A_241 = tpu.memref_slice %arg6[%dma_start3A_238, %dma_start3A_239, %dma_start3A_240] : memref<4x100x64xf32, #tpu.memory_space<vmem>> -> memref<1x100x64xf32, #tpu.memory_space<vmem>>
      %dma_start3A_242 = tpu.memref_squeeze %dma_start3A_241 : memref<1x100x64xf32, #tpu.memory_space<vmem>> -> memref<100x64xf32, #tpu.memory_space<vmem>>
      %dma_start3A_243 = arith.constant 0 : i32
      %dma_start3A_244 = tpu.memref_slice %arg5[%add3A_237, %dma_start3A_243] : memref<256x100xi32, #tpu.memory_space<vmem>> -> memref<1x100xi32, #tpu.memory_space<vmem>>
      %dma_start3A_245 = tpu.memref_squeeze %dma_start3A_244 : memref<1x100xi32, #tpu.memory_space<vmem>> -> memref<100xi32, #tpu.memory_space<vmem>>
      %dma_start3A_246 = arith.constant 0 : i32
      %dma_start3A_247 = arith.constant 0 : i32
      %dma_start3A_248 = tpu.memref_slice %arg3[%dma_start3A_246, %dma_start3A_247] : memref<1007616x64xf32, #tpu.memory_space<hbm>> -> memref<1007616x64xf32, #tpu.memory_space<hbm>>
      tpu.enqueue_indirect_dma source(%dma_start3A_248 : memref<1007616x64xf32, #tpu.memory_space<hbm>>) target(%dma_start3A_242 : memref<100x64xf32, #tpu.memory_space<vmem>>) offsets(%dma_start3A_245 : memref<100xi32, #tpu.memory_space<vmem>>) semaphore(%arg9 : memref<!tpu.dma_semaphore, #tpu.memory_space<semaphore_mem>>)
      %mul3A_249 = arith.constant 2 : i32
      %mul3A_250 = arith.muli %scan3A_182, %mul3A_249 : i32
      %add3A_251 = arith.constant 0 : i32
      %add3A_252 = arith.addi %mul3A_250, %add3A_251 : i32
      %swap3A_253 = arith.index_cast %add3A_252 : i32 to index
      %swap3A_254 = arith.constant 0 : index
      %swap3A_255 = tpu.vector_load %arg7[%swap3A_253, %swap3A_254] {strides = array<i32>} : memref<128x64xf32, #tpu.memory_space<vmem>>, vector<1x16xf32>,
      %swap3A_256 = vector.shape_cast %swap3A_255 : vector<1x16xf32> to vector<16xf32>
      %swap3A_257 = vector.shape_cast %scan3A_234#0 : vector<16xf32> to vector<1x16xf32>
      tpu.vector_store %arg7[%swap3A_253, %swap3A_254], %swap3A_257 {strides = array<i32>} : memref<128x64xf32, #tpu.memory_space<vmem>>, vector<1x16xf32>,
      %swap3A_258 = arith.index_cast %add3A_252 : i32 to index
      %swap3A_259 = arith.constant 16 : index
      %swap3A_260 = tpu.vector_load %arg7[%swap3A_258, %swap3A_259] {strides = array<i32>} : memref<128x64xf32, #tpu.memory_space<vmem>>, vector<1x16xf32>,
      %swap3A_261 = vector.shape_cast %swap3A_260 : vector<1x16xf32> to vector<16xf32>
      %swap3A_262 = vector.shape_cast %scan3A_234#1 : vector<16xf32> to vector<1x16xf32>
      tpu.vector_store %arg7[%swap3A_258, %swap3A_259], %swap3A_262 {strides = array<i32>} : memref<128x64xf32, #tpu.memory_space<vmem>>, vector<1x16xf32>,
      %swap3A_263 = arith.index_cast %add3A_252 : i32 to index
      %swap3A_264 = arith.constant 32 : index
      %swap3A_265 = tpu.vector_load %arg7[%swap3A_263, %swap3A_264] {strides = array<i32>} : memref<128x64xf32, #tpu.memory_space<vmem>>, vector<1x16xf32>,
      %swap3A_266 = vector.shape_cast %swap3A_265 : vector<1x16xf32> to vector<16xf32>
      %swap3A_267 = vector.shape_cast %scan3A_234#2 : vector<16xf32> to vector<1x16xf32>
      tpu.vector_store %arg7[%swap3A_263, %swap3A_264], %swap3A_267 {strides = array<i32>} : memref<128x64xf32, #tpu.memory_space<vmem>>, vector<1x16xf32>,
      %swap3A_268 = arith.index_cast %add3A_252 : i32 to index
      %swap3A_269 = arith.constant 48 : index
      %swap3A_270 = tpu.vector_load %arg7[%swap3A_268, %swap3A_269] {strides = array<i32>} : memref<128x64xf32, #tpu.memory_space<vmem>>, vector<1x16xf32>,
      %swap3A_271 = vector.shape_cast %swap3A_270 : vector<1x16xf32> to vector<16xf32>
      %swap3A_272 = vector.shape_cast %scan3A_234#3 : vector<16xf32> to vector<1x16xf32>
      tpu.vector_store %arg7[%swap3A_268, %swap3A_269], %swap3A_272 {strides = array<i32>} : memref<128x64xf32, #tpu.memory_space<vmem>>, vector<1x16xf32>,
      %add3A_273 = arith.constant 2 : i32
      %add3A_274 = arith.addi %mul3A_184, %add3A_273 : i32
      %dma_wait3A_275 = arith.constant 2 : i32
      %dma_wait3A_276 = arith.constant 0 : i32
      %dma_wait3A_277 = arith.constant 0 : i32
      %dma_wait3A_278 = tpu.memref_slice %arg6[%dma_wait3A_275, %dma_wait3A_276, %dma_wait3A_277] : memref<4x100x64xf32, #tpu.memory_space<vmem>> -> memref<1x100x64xf32, #tpu.memory_space<vmem>>
      %dma_wait3A_279 = tpu.memref_squeeze %dma_wait3A_278 : memref<1x100x64xf32, #tpu.memory_space<vmem>> -> memref<100x64xf32, #tpu.memory_space<vmem>>
      %dma_wait3A_280 = arith.constant 0 : i32
      %dma_wait3A_281 = tpu.memref_slice %arg5[%add3A_274, %dma_wait3A_280] : memref<256x100xi32, #tpu.memory_space<vmem>> -> memref<1x100xi32, #tpu.memory_space<vmem>>
      %dma_wait3A_282 = tpu.memref_squeeze %dma_wait3A_281 : memref<1x100xi32, #tpu.memory_space<vmem>> -> memref<100xi32, #tpu.memory_space<vmem>>
      %dma_wait3A_283 = arith.constant 0 : i32
      %dma_wait3A_284 = arith.constant 0 : i32
      %dma_wait3A_285 = tpu.memref_slice %arg3[%dma_wait3A_283, %dma_wait3A_284] : memref<1007616x64xf32, #tpu.memory_space<hbm>> -> memref<1007616x64xf32, #tpu.memory_space<hbm>>
      tpu.wait_indirect_dma semaphore(%arg10 : memref<!tpu.dma_semaphore, #tpu.memory_space<semaphore_mem>>) src(%dma_wait3A_285 : memref<1007616x64xf32, #tpu.memory_space<hbm>>) dst(%dma_wait3A_279 : memref<100x64xf32, #tpu.memory_space<vmem>>)
      %scan3A_286 = arith.constant 0 : i32
      %scan3A_287 = arith.constant 100 : i32
      %scan3A_288 = arith.addi %scan3A_286, %scan3A_287 : i32
      %scan3A_289 = arith.constant 4 : i32
      %scan3A_290:4 = scf.for %scan3A_361 = %scan3A_286 to %scan3A_288 step %scan3A_289 iter_args(%scan3A_362 = %broadcast_in_dim3A_50, %scan3A_363 = %broadcast_in_dim3A_52, %scan3A_364 = %broadcast_in_dim3A_54, %scan3A_365 = %broadcast_in_dim3A_56) -> (vector<16xf32>, vector<16xf32>, vector<16xf32>, vector<16xf32>)  : i32 {
        %get3A = arith.constant 2 : i32
        %get3A_366 = arith.index_cast %get3A : i32 to index
        %get3A_367 = arith.index_cast %scan3A_361 : i32 to index
        %get3A_368 = arith.constant 0 : index
        %get3A_369 = tpu.vector_load %arg6[%get3A_366, %get3A_367, %get3A_368] {strides = array<i32>} : memref<4x100x64xf32, #tpu.memory_space<vmem>>, vector<1x1x16xf32>,
        %get3A_370 = vector.shape_cast %get3A_369 : vector<1x1x16xf32> to vector<16xf32>
        %add3A_371 = arith.addf %scan3A_362, %get3A_370 : vector<16xf32>
        %get3A_372 = arith.constant 2 : i32
        %get3A_373 = arith.index_cast %get3A_372 : i32 to index
        %get3A_374 = arith.index_cast %scan3A_361 : i32 to index
        %get3A_375 = arith.constant 16 : index
        %get3A_376 = tpu.vector_load %arg6[%get3A_373, %get3A_374, %get3A_375] {strides = array<i32>} : memref<4x100x64xf32, #tpu.memory_space<vmem>>, vector<1x1x16xf32>,
        %get3A_377 = vector.shape_cast %get3A_376 : vector<1x1x16xf32> to vector<16xf32>
        %add3A_378 = arith.addf %scan3A_363, %get3A_377 : vector<16xf32>
        %get3A_379 = arith.constant 2 : i32
        %get3A_380 = arith.index_cast %get3A_379 : i32 to index
        %get3A_381 = arith.index_cast %scan3A_361 : i32 to index
        %get3A_382 = arith.constant 32 : index
        %get3A_383 = tpu.vector_load %arg6[%get3A_380, %get3A_381, %get3A_382] {strides = array<i32>} : memref<4x100x64xf32, #tpu.memory_space<vmem>>, vector<1x1x16xf32>,
        %get3A_384 = vector.shape_cast %get3A_383 : vector<1x1x16xf32> to vector<16xf32>
        %add3A_385 = arith.addf %scan3A_364, %get3A_384 : vector<16xf32>
        %get3A_386 = arith.constant 2 : i32
        %get3A_387 = arith.index_cast %get3A_386 : i32 to index
        %get3A_388 = arith.index_cast %scan3A_361 : i32 to index
        %get3A_389 = arith.constant 48 : index
        %get3A_390 = tpu.vector_load %arg6[%get3A_387, %get3A_388, %get3A_389] {strides = array<i32>} : memref<4x100x64xf32, #tpu.memory_space<vmem>>, vector<1x1x16xf32>,
        %get3A_391 = vector.shape_cast %get3A_390 : vector<1x1x16xf32> to vector<16xf32>
        %add3A_392 = arith.addf %scan3A_365, %get3A_391 : vector<16xf32>
        %scan3A_393 = arith.constant 1 : i32
        %scan3A_394 = arith.addi %scan3A_361, %scan3A_393 : i32
        %get3A_395 = arith.constant 2 : i32
        %get3A_396 = arith.index_cast %get3A_395 : i32 to index
        %get3A_397 = arith.index_cast %scan3A_394 : i32 to index
        %get3A_398 = arith.constant 0 : index
        %get3A_399 = tpu.vector_load %arg6[%get3A_396, %get3A_397, %get3A_398] {strides = array<i32>} : memref<4x100x64xf32, #tpu.memory_space<vmem>>, vector<1x1x16xf32>,
        %get3A_400 = vector.shape_cast %get3A_399 : vector<1x1x16xf32> to vector<16xf32>
        %add3A_401 = arith.addf %add3A_371, %get3A_400 : vector<16xf32>
        %get3A_402 = arith.constant 2 : i32
        %get3A_403 = arith.index_cast %get3A_402 : i32 to index
        %get3A_404 = arith.index_cast %scan3A_394 : i32 to index
        %get3A_405 = arith.constant 16 : index
        %get3A_406 = tpu.vector_load %arg6[%get3A_403, %get3A_404, %get3A_405] {strides = array<i32>} : memref<4x100x64xf32, #tpu.memory_space<vmem>>, vector<1x1x16xf32>,
        %get3A_407 = vector.shape_cast %get3A_406 : vector<1x1x16xf32> to vector<16xf32>
        %add3A_408 = arith.addf %add3A_378, %get3A_407 : vector<16xf32>
        %get3A_409 = arith.constant 2 : i32
        %get3A_410 = arith.index_cast %get3A_409 : i32 to index
        %get3A_411 = arith.index_cast %scan3A_394 : i32 to index
        %get3A_412 = arith.constant 32 : index
        %get3A_413 = tpu.vector_load %arg6[%get3A_410, %get3A_411, %get3A_412] {strides = array<i32>} : memref<4x100x64xf32, #tpu.memory_space<vmem>>, vector<1x1x16xf32>,
        %get3A_414 = vector.shape_cast %get3A_413 : vector<1x1x16xf32> to vector<16xf32>
        %add3A_415 = arith.addf %add3A_385, %get3A_414 : vector<16xf32>
        %get3A_416 = arith.constant 2 : i32
        %get3A_417 = arith.index_cast %get3A_416 : i32 to index
        %get3A_418 = arith.index_cast %scan3A_394 : i32 to index
        %get3A_419 = arith.constant 48 : index
        %get3A_420 = tpu.vector_load %arg6[%get3A_417, %get3A_418, %get3A_419] {strides = array<i32>} : memref<4x100x64xf32, #tpu.memory_space<vmem>>, vector<1x1x16xf32>,
        %get3A_421 = vector.shape_cast %get3A_420 : vector<1x1x16xf32> to vector<16xf32>
        %add3A_422 = arith.addf %add3A_392, %get3A_421 : vector<16xf32>
        %scan3A_423 = arith.constant 2 : i32
        %scan3A_424 = arith.addi %scan3A_361, %scan3A_423 : i32
        %get3A_425 = arith.constant 2 : i32
        %get3A_426 = arith.index_cast %get3A_425 : i32 to index
        %get3A_427 = arith.index_cast %scan3A_424 : i32 to index
        %get3A_428 = arith.constant 0 : index
        %get3A_429 = tpu.vector_load %arg6[%get3A_426, %get3A_427, %get3A_428] {strides = array<i32>} : memref<4x100x64xf32, #tpu.memory_space<vmem>>, vector<1x1x16xf32>,
        %get3A_430 = vector.shape_cast %get3A_429 : vector<1x1x16xf32> to vector<16xf32>
        %add3A_431 = arith.addf %add3A_401, %get3A_430 : vector<16xf32>
        %get3A_432 = arith.constant 2 : i32
        %get3A_433 = arith.index_cast %get3A_432 : i32 to index
        %get3A_434 = arith.index_cast %scan3A_424 : i32 to index
        %get3A_435 = arith.constant 16 : index
        %get3A_436 = tpu.vector_load %arg6[%get3A_433, %get3A_434, %get3A_435] {strides = array<i32>} : memref<4x100x64xf32, #tpu.memory_space<vmem>>, vector<1x1x16xf32>,
        %get3A_437 = vector.shape_cast %get3A_436 : vector<1x1x16xf32> to vector<16xf32>
        %add3A_438 = arith.addf %add3A_408, %get3A_437 : vector<16xf32>
        %get3A_439 = arith.constant 2 : i32
        %get3A_440 = arith.index_cast %get3A_439 : i32 to index
        %get3A_441 = arith.index_cast %scan3A_424 : i32 to index
        %get3A_442 = arith.constant 32 : index
        %get3A_443 = tpu.vector_load %arg6[%get3A_440, %get3A_441, %get3A_442] {strides = array<i32>} : memref<4x100x64xf32, #tpu.memory_space<vmem>>, vector<1x1x16xf32>,
        %get3A_444 = vector.shape_cast %get3A_443 : vector<1x1x16xf32> to vector<16xf32>
        %add3A_445 = arith.addf %add3A_415, %get3A_444 : vector<16xf32>
        %get3A_446 = arith.constant 2 : i32
        %get3A_447 = arith.index_cast %get3A_446 : i32 to index
        %get3A_448 = arith.index_cast %scan3A_424 : i32 to index
        %get3A_449 = arith.constant 48 : index
        %get3A_450 = tpu.vector_load %arg6[%get3A_447, %get3A_448, %get3A_449] {strides = array<i32>} : memref<4x100x64xf32, #tpu.memory_space<vmem>>, vector<1x1x16xf32>,
        %get3A_451 = vector.shape_cast %get3A_450 : vector<1x1x16xf32> to vector<16xf32>
        %add3A_452 = arith.addf %add3A_422, %get3A_451 : vector<16xf32>
        %scan3A_453 = arith.constant 3 : i32
        %scan3A_454 = arith.addi %scan3A_361, %scan3A_453 : i32
        %get3A_455 = arith.constant 2 : i32
        %get3A_456 = arith.index_cast %get3A_455 : i32 to index
        %get3A_457 = arith.index_cast %scan3A_454 : i32 to index
        %get3A_458 = arith.constant 0 : index
        %get3A_459 = tpu.vector_load %arg6[%get3A_456, %get3A_457, %get3A_458] {strides = array<i32>} : memref<4x100x64xf32, #tpu.memory_space<vmem>>, vector<1x1x16xf32>,
        %get3A_460 = vector.shape_cast %get3A_459 : vector<1x1x16xf32> to vector<16xf32>
        %add3A_461 = arith.addf %add3A_431, %get3A_460 : vector<16xf32>
        %get3A_462 = arith.constant 2 : i32
        %get3A_463 = arith.index_cast %get3A_462 : i32 to index
        %get3A_464 = arith.index_cast %scan3A_454 : i32 to index
        %get3A_465 = arith.constant 16 : index
        %get3A_466 = tpu.vector_load %arg6[%get3A_463, %get3A_464, %get3A_465] {strides = array<i32>} : memref<4x100x64xf32, #tpu.memory_space<vmem>>, vector<1x1x16xf32>,
        %get3A_467 = vector.shape_cast %get3A_466 : vector<1x1x16xf32> to vector<16xf32>
        %add3A_468 = arith.addf %add3A_438, %get3A_467 : vector<16xf32>
        %get3A_469 = arith.constant 2 : i32
        %get3A_470 = arith.index_cast %get3A_469 : i32 to index
        %get3A_471 = arith.index_cast %scan3A_454 : i32 to index
        %get3A_472 = arith.constant 32 : index
        %get3A_473 = tpu.vector_load %arg6[%get3A_470, %get3A_471, %get3A_472] {strides = array<i32>} : memref<4x100x64xf32, #tpu.memory_space<vmem>>, vector<1x1x16xf32>,
        %get3A_474 = vector.shape_cast %get3A_473 : vector<1x1x16xf32> to vector<16xf32>
        %add3A_475 = arith.addf %add3A_445, %get3A_474 : vector<16xf32>
        %get3A_476 = arith.constant 2 : i32
        %get3A_477 = arith.index_cast %get3A_476 : i32 to index
        %get3A_478 = arith.index_cast %scan3A_454 : i32 to index
        %get3A_479 = arith.constant 48 : index
        %get3A_480 = tpu.vector_load %arg6[%get3A_477, %get3A_478, %get3A_479] {strides = array<i32>} : memref<4x100x64xf32, #tpu.memory_space<vmem>>, vector<1x1x16xf32>,
        %get3A_481 = vector.shape_cast %get3A_480 : vector<1x1x16xf32> to vector<16xf32>
        %add3A_482 = arith.addf %add3A_452, %get3A_481 : vector<16xf32>
        scf.yield %add3A_461, %add3A_468, %add3A_475, %add3A_482 : vector<16xf32>, vector<16xf32>, vector<16xf32>, vector<16xf32>
      }
      %scan3A_291 = arith.constant 100 : i32
      %add3A_292 = arith.constant 4 : i32
      %add3A_293 = arith.addi %add3A_274, %add3A_292 : i32
      %dma_start3A_294 = arith.constant 2 : i32
      %dma_start3A_295 = arith.constant 0 : i32
      %dma_start3A_296 = arith.constant 0 : i32
      %dma_start3A_297 = tpu.memref_slice %arg6[%dma_start3A_294, %dma_start3A_295, %dma_start3A_296] : memref<4x100x64xf32, #tpu.memory_space<vmem>> -> memref<1x100x64xf32, #tpu.memory_space<vmem>>
      %dma_start3A_298 = tpu.memref_squeeze %dma_start3A_297 : memref<1x100x64xf32, #tpu.memory_space<vmem>> -> memref<100x64xf32, #tpu.memory_space<vmem>>
      %dma_start3A_299 = arith.constant 0 : i32
      %dma_start3A_300 = tpu.memref_slice %arg5[%add3A_293, %dma_start3A_299] : memref<256x100xi32, #tpu.memory_space<vmem>> -> memref<1x100xi32, #tpu.memory_space<vmem>>
      %dma_start3A_301 = tpu.memref_squeeze %dma_start3A_300 : memref<1x100xi32, #tpu.memory_space<vmem>> -> memref<100xi32, #tpu.memory_space<vmem>>
      %dma_start3A_302 = arith.constant 0 : i32
      %dma_start3A_303 = arith.constant 0 : i32
      %dma_start3A_304 = tpu.memref_slice %arg3[%dma_start3A_302, %dma_start3A_303] : memref<1007616x64xf32, #tpu.memory_space<hbm>> -> memref<1007616x64xf32, #tpu.memory_space<hbm>>
      tpu.enqueue_indirect_dma source(%dma_start3A_304 : memref<1007616x64xf32, #tpu.memory_space<hbm>>) target(%dma_start3A_298 : memref<100x64xf32, #tpu.memory_space<vmem>>) offsets(%dma_start3A_301 : memref<100xi32, #tpu.memory_space<vmem>>) semaphore(%arg10 : memref<!tpu.dma_semaphore, #tpu.memory_space<semaphore_mem>>)
      %add3A_305 = arith.constant 3 : i32
      %add3A_306 = arith.addi %mul3A_184, %add3A_305 : i32
      %dma_wait3A_307 = arith.constant 3 : i32
      %dma_wait3A_308 = arith.constant 0 : i32
      %dma_wait3A_309 = arith.constant 0 : i32
      %dma_wait3A_310 = tpu.memref_slice %arg6[%dma_wait3A_307, %dma_wait3A_308, %dma_wait3A_309] : memref<4x100x64xf32, #tpu.memory_space<vmem>> -> memref<1x100x64xf32, #tpu.memory_space<vmem>>
      %dma_wait3A_311 = tpu.memref_squeeze %dma_wait3A_310 : memref<1x100x64xf32, #tpu.memory_space<vmem>> -> memref<100x64xf32, #tpu.memory_space<vmem>>
      %dma_wait3A_312 = arith.constant 0 : i32
      %dma_wait3A_313 = tpu.memref_slice %arg5[%add3A_306, %dma_wait3A_312] : memref<256x100xi32, #tpu.memory_space<vmem>> -> memref<1x100xi32, #tpu.memory_space<vmem>>
      %dma_wait3A_314 = tpu.memref_squeeze %dma_wait3A_313 : memref<1x100xi32, #tpu.memory_space<vmem>> -> memref<100xi32, #tpu.memory_space<vmem>>
      %dma_wait3A_315 = arith.constant 0 : i32
      %dma_wait3A_316 = arith.constant 0 : i32
      %dma_wait3A_317 = tpu.memref_slice %arg3[%dma_wait3A_315, %dma_wait3A_316] : memref<1007616x64xf32, #tpu.memory_space<hbm>> -> memref<1007616x64xf32, #tpu.memory_space<hbm>>
      tpu.wait_indirect_dma semaphore(%arg11 : memref<!tpu.dma_semaphore, #tpu.memory_space<semaphore_mem>>) src(%dma_wait3A_317 : memref<1007616x64xf32, #tpu.memory_space<hbm>>) dst(%dma_wait3A_311 : memref<100x64xf32, #tpu.memory_space<vmem>>)
      %scan3A_318 = arith.constant 0 : i32
      %scan3A_319 = arith.constant 100 : i32
      %scan3A_320 = arith.addi %scan3A_318, %scan3A_319 : i32
      %scan3A_321 = arith.constant 4 : i32
      %scan3A_322:4 = scf.for %scan3A_361 = %scan3A_318 to %scan3A_320 step %scan3A_321 iter_args(%scan3A_362 = %scan3A_290#0, %scan3A_363 = %scan3A_290#1, %scan3A_364 = %scan3A_290#2, %scan3A_365 = %scan3A_290#3) -> (vector<16xf32>, vector<16xf32>, vector<16xf32>, vector<16xf32>)  : i32 {
        %get3A = arith.constant 3 : i32
        %get3A_366 = arith.index_cast %get3A : i32 to index
        %get3A_367 = arith.index_cast %scan3A_361 : i32 to index
        %get3A_368 = arith.constant 0 : index
        %get3A_369 = tpu.vector_load %arg6[%get3A_366, %get3A_367, %get3A_368] {strides = array<i32>} : memref<4x100x64xf32, #tpu.memory_space<vmem>>, vector<1x1x16xf32>,
        %get3A_370 = vector.shape_cast %get3A_369 : vector<1x1x16xf32> to vector<16xf32>
        %add3A_371 = arith.addf %scan3A_362, %get3A_370 : vector<16xf32>
        %get3A_372 = arith.constant 3 : i32
        %get3A_373 = arith.index_cast %get3A_372 : i32 to index
        %get3A_374 = arith.index_cast %scan3A_361 : i32 to index
        %get3A_375 = arith.constant 16 : index
        %get3A_376 = tpu.vector_load %arg6[%get3A_373, %get3A_374, %get3A_375] {strides = array<i32>} : memref<4x100x64xf32, #tpu.memory_space<vmem>>, vector<1x1x16xf32>,
        %get3A_377 = vector.shape_cast %get3A_376 : vector<1x1x16xf32> to vector<16xf32>
        %add3A_378 = arith.addf %scan3A_363, %get3A_377 : vector<16xf32>
        %get3A_379 = arith.constant 3 : i32
        %get3A_380 = arith.index_cast %get3A_379 : i32 to index
        %get3A_381 = arith.index_cast %scan3A_361 : i32 to index
        %get3A_382 = arith.constant 32 : index
        %get3A_383 = tpu.vector_load %arg6[%get3A_380, %get3A_381, %get3A_382] {strides = array<i32>} : memref<4x100x64xf32, #tpu.memory_space<vmem>>, vector<1x1x16xf32>,
        %get3A_384 = vector.shape_cast %get3A_383 : vector<1x1x16xf32> to vector<16xf32>
        %add3A_385 = arith.addf %scan3A_364, %get3A_384 : vector<16xf32>
        %get3A_386 = arith.constant 3 : i32
        %get3A_387 = arith.index_cast %get3A_386 : i32 to index
        %get3A_388 = arith.index_cast %scan3A_361 : i32 to index
        %get3A_389 = arith.constant 48 : index
        %get3A_390 = tpu.vector_load %arg6[%get3A_387, %get3A_388, %get3A_389] {strides = array<i32>} : memref<4x100x64xf32, #tpu.memory_space<vmem>>, vector<1x1x16xf32>,
        %get3A_391 = vector.shape_cast %get3A_390 : vector<1x1x16xf32> to vector<16xf32>
        %add3A_392 = arith.addf %scan3A_365, %get3A_391 : vector<16xf32>
        %scan3A_393 = arith.constant 1 : i32
        %scan3A_394 = arith.addi %scan3A_361, %scan3A_393 : i32
        %get3A_395 = arith.constant 3 : i32
        %get3A_396 = arith.index_cast %get3A_395 : i32 to index
        %get3A_397 = arith.index_cast %scan3A_394 : i32 to index
        %get3A_398 = arith.constant 0 : index
        %get3A_399 = tpu.vector_load %arg6[%get3A_396, %get3A_397, %get3A_398] {strides = array<i32>} : memref<4x100x64xf32, #tpu.memory_space<vmem>>, vector<1x1x16xf32>,
        %get3A_400 = vector.shape_cast %get3A_399 : vector<1x1x16xf32> to vector<16xf32>
        %add3A_401 = arith.addf %add3A_371, %get3A_400 : vector<16xf32>
        %get3A_402 = arith.constant 3 : i32
        %get3A_403 = arith.index_cast %get3A_402 : i32 to index
        %get3A_404 = arith.index_cast %scan3A_394 : i32 to index
        %get3A_405 = arith.constant 16 : index
        %get3A_406 = tpu.vector_load %arg6[%get3A_403, %get3A_404, %get3A_405] {strides = array<i32>} : memref<4x100x64xf32, #tpu.memory_space<vmem>>, vector<1x1x16xf32>,
        %get3A_407 = vector.shape_cast %get3A_406 : vector<1x1x16xf32> to vector<16xf32>
        %add3A_408 = arith.addf %add3A_378, %get3A_407 : vector<16xf32>
        %get3A_409 = arith.constant 3 : i32
        %get3A_410 = arith.index_cast %get3A_409 : i32 to index
        %get3A_411 = arith.index_cast %scan3A_394 : i32 to index
        %get3A_412 = arith.constant 32 : index
        %get3A_413 = tpu.vector_load %arg6[%get3A_410, %get3A_411, %get3A_412] {strides = array<i32>} : memref<4x100x64xf32, #tpu.memory_space<vmem>>, vector<1x1x16xf32>,
        %get3A_414 = vector.shape_cast %get3A_413 : vector<1x1x16xf32> to vector<16xf32>
        %add3A_415 = arith.addf %add3A_385, %get3A_414 : vector<16xf32>
        %get3A_416 = arith.constant 3 : i32
        %get3A_417 = arith.index_cast %get3A_416 : i32 to index
        %get3A_418 = arith.index_cast %scan3A_394 : i32 to index
        %get3A_419 = arith.constant 48 : index
        %get3A_420 = tpu.vector_load %arg6[%get3A_417, %get3A_418, %get3A_419] {strides = array<i32>} : memref<4x100x64xf32, #tpu.memory_space<vmem>>, vector<1x1x16xf32>,
        %get3A_421 = vector.shape_cast %get3A_420 : vector<1x1x16xf32> to vector<16xf32>
        %add3A_422 = arith.addf %add3A_392, %get3A_421 : vector<16xf32>
        %scan3A_423 = arith.constant 2 : i32
        %scan3A_424 = arith.addi %scan3A_361, %scan3A_423 : i32
        %get3A_425 = arith.constant 3 : i32
        %get3A_426 = arith.index_cast %get3A_425 : i32 to index
        %get3A_427 = arith.index_cast %scan3A_424 : i32 to index
        %get3A_428 = arith.constant 0 : index
        %get3A_429 = tpu.vector_load %arg6[%get3A_426, %get3A_427, %get3A_428] {strides = array<i32>} : memref<4x100x64xf32, #tpu.memory_space<vmem>>, vector<1x1x16xf32>,
        %get3A_430 = vector.shape_cast %get3A_429 : vector<1x1x16xf32> to vector<16xf32>
        %add3A_431 = arith.addf %add3A_401, %get3A_430 : vector<16xf32>
        %get3A_432 = arith.constant 3 : i32
        %get3A_433 = arith.index_cast %get3A_432 : i32 to index
        %get3A_434 = arith.index_cast %scan3A_424 : i32 to index
        %get3A_435 = arith.constant 16 : index
        %get3A_436 = tpu.vector_load %arg6[%get3A_433, %get3A_434, %get3A_435] {strides = array<i32>} : memref<4x100x64xf32, #tpu.memory_space<vmem>>, vector<1x1x16xf32>,
        %get3A_437 = vector.shape_cast %get3A_436 : vector<1x1x16xf32> to vector<16xf32>
        %add3A_438 = arith.addf %add3A_408, %get3A_437 : vector<16xf32>
        %get3A_439 = arith.constant 3 : i32
        %get3A_440 = arith.index_cast %get3A_439 : i32 to index
        %get3A_441 = arith.index_cast %scan3A_424 : i32 to index
        %get3A_442 = arith.constant 32 : index
        %get3A_443 = tpu.vector_load %arg6[%get3A_440, %get3A_441, %get3A_442] {strides = array<i32>} : memref<4x100x64xf32, #tpu.memory_space<vmem>>, vector<1x1x16xf32>,
        %get3A_444 = vector.shape_cast %get3A_443 : vector<1x1x16xf32> to vector<16xf32>
        %add3A_445 = arith.addf %add3A_415, %get3A_444 : vector<16xf32>
        %get3A_446 = arith.constant 3 : i32
        %get3A_447 = arith.index_cast %get3A_446 : i32 to index
        %get3A_448 = arith.index_cast %scan3A_424 : i32 to index
        %get3A_449 = arith.constant 48 : index
        %get3A_450 = tpu.vector_load %arg6[%get3A_447, %get3A_448, %get3A_449] {strides = array<i32>} : memref<4x100x64xf32, #tpu.memory_space<vmem>>, vector<1x1x16xf32>,
        %get3A_451 = vector.shape_cast %get3A_450 : vector<1x1x16xf32> to vector<16xf32>
        %add3A_452 = arith.addf %add3A_422, %get3A_451 : vector<16xf32>
        %scan3A_453 = arith.constant 3 : i32
        %scan3A_454 = arith.addi %scan3A_361, %scan3A_453 : i32
        %get3A_455 = arith.constant 3 : i32
        %get3A_456 = arith.index_cast %get3A_455 : i32 to index
        %get3A_457 = arith.index_cast %scan3A_454 : i32 to index
        %get3A_458 = arith.constant 0 : index
        %get3A_459 = tpu.vector_load %arg6[%get3A_456, %get3A_457, %get3A_458] {strides = array<i32>} : memref<4x100x64xf32, #tpu.memory_space<vmem>>, vector<1x1x16xf32>,
        %get3A_460 = vector.shape_cast %get3A_459 : vector<1x1x16xf32> to vector<16xf32>
        %add3A_461 = arith.addf %add3A_431, %get3A_460 : vector<16xf32>
        %get3A_462 = arith.constant 3 : i32
        %get3A_463 = arith.index_cast %get3A_462 : i32 to index
        %get3A_464 = arith.index_cast %scan3A_454 : i32 to index
        %get3A_465 = arith.constant 16 : index
        %get3A_466 = tpu.vector_load %arg6[%get3A_463, %get3A_464, %get3A_465] {strides = array<i32>} : memref<4x100x64xf32, #tpu.memory_space<vmem>>, vector<1x1x16xf32>,
        %get3A_467 = vector.shape_cast %get3A_466 : vector<1x1x16xf32> to vector<16xf32>
        %add3A_468 = arith.addf %add3A_438, %get3A_467 : vector<16xf32>
        %get3A_469 = arith.constant 3 : i32
        %get3A_470 = arith.index_cast %get3A_469 : i32 to index
        %get3A_471 = arith.index_cast %scan3A_454 : i32 to index
        %get3A_472 = arith.constant 32 : index
        %get3A_473 = tpu.vector_load %arg6[%get3A_470, %get3A_471, %get3A_472] {strides = array<i32>} : memref<4x100x64xf32, #tpu.memory_space<vmem>>, vector<1x1x16xf32>,
        %get3A_474 = vector.shape_cast %get3A_473 : vector<1x1x16xf32> to vector<16xf32>
        %add3A_475 = arith.addf %add3A_445, %get3A_474 : vector<16xf32>
        %get3A_476 = arith.constant 3 : i32
        %get3A_477 = arith.index_cast %get3A_476 : i32 to index
        %get3A_478 = arith.index_cast %scan3A_454 : i32 to index
        %get3A_479 = arith.constant 48 : index
        %get3A_480 = tpu.vector_load %arg6[%get3A_477, %get3A_478, %get3A_479] {strides = array<i32>} : memref<4x100x64xf32, #tpu.memory_space<vmem>>, vector<1x1x16xf32>,
        %get3A_481 = vector.shape_cast %get3A_480 : vector<1x1x16xf32> to vector<16xf32>
        %add3A_482 = arith.addf %add3A_452, %get3A_481 : vector<16xf32>
        scf.yield %add3A_461, %add3A_468, %add3A_475, %add3A_482 : vector<16xf32>, vector<16xf32>, vector<16xf32>, vector<16xf32>
      }
      %scan3A_323 = arith.constant 100 : i32
      %add3A_324 = arith.constant 4 : i32
      %add3A_325 = arith.addi %add3A_306, %add3A_324 : i32
      %dma_start3A_326 = arith.constant 3 : i32
      %dma_start3A_327 = arith.constant 0 : i32
      %dma_start3A_328 = arith.constant 0 : i32
      %dma_start3A_329 = tpu.memref_slice %arg6[%dma_start3A_326, %dma_start3A_327, %dma_start3A_328] : memref<4x100x64xf32, #tpu.memory_space<vmem>> -> memref<1x100x64xf32, #tpu.memory_space<vmem>>
      %dma_start3A_330 = tpu.memref_squeeze %dma_start3A_329 : memref<1x100x64xf32, #tpu.memory_space<vmem>> -> memref<100x64xf32, #tpu.memory_space<vmem>>
      %dma_start3A_331 = arith.constant 0 : i32
      %dma_start3A_332 = tpu.memref_slice %arg5[%add3A_325, %dma_start3A_331] : memref<256x100xi32, #tpu.memory_space<vmem>> -> memref<1x100xi32, #tpu.memory_space<vmem>>
      %dma_start3A_333 = tpu.memref_squeeze %dma_start3A_332 : memref<1x100xi32, #tpu.memory_space<vmem>> -> memref<100xi32, #tpu.memory_space<vmem>>
      %dma_start3A_334 = arith.constant 0 : i32
      %dma_start3A_335 = arith.constant 0 : i32
      %dma_start3A_336 = tpu.memref_slice %arg3[%dma_start3A_334, %dma_start3A_335] : memref<1007616x64xf32, #tpu.memory_space<hbm>> -> memref<1007616x64xf32, #tpu.memory_space<hbm>>
      tpu.enqueue_indirect_dma source(%dma_start3A_336 : memref<1007616x64xf32, #tpu.memory_space<hbm>>) target(%dma_start3A_330 : memref<100x64xf32, #tpu.memory_space<vmem>>) offsets(%dma_start3A_333 : memref<100xi32, #tpu.memory_space<vmem>>) semaphore(%arg11 : memref<!tpu.dma_semaphore, #tpu.memory_space<semaphore_mem>>)
      %mul3A_337 = arith.constant 2 : i32
      %mul3A_338 = arith.muli %scan3A_182, %mul3A_337 : i32
      %add3A_339 = arith.constant 1 : i32
      %add3A_340 = arith.addi %mul3A_338, %add3A_339 : i32
      %swap3A_341 = arith.index_cast %add3A_340 : i32 to index
      %swap3A_342 = arith.constant 0 : index
      %swap3A_343 = tpu.vector_load %arg7[%swap3A_341, %swap3A_342] {strides = array<i32>} : memref<128x64xf32, #tpu.memory_space<vmem>>, vector<1x16xf32>,
      %swap3A_344 = vector.shape_cast %swap3A_343 : vector<1x16xf32> to vector<16xf32>
      %swap3A_345 = vector.shape_cast %scan3A_322#0 : vector<16xf32> to vector<1x16xf32>
      tpu.vector_store %arg7[%swap3A_341, %swap3A_342], %swap3A_345 {strides = array<i32>} : memref<128x64xf32, #tpu.memory_space<vmem>>, vector<1x16xf32>,
      %swap3A_346 = arith.index_cast %add3A_340 : i32 to index
      %swap3A_347 = arith.constant 16 : index
      %swap3A_348 = tpu.vector_load %arg7[%swap3A_346, %swap3A_347] {strides = array<i32>} : memref<128x64xf32, #tpu.memory_space<vmem>>, vector<1x16xf32>,
      %swap3A_349 = vector.shape_cast %swap3A_348 : vector<1x16xf32> to vector<16xf32>
      %swap3A_350 = vector.shape_cast %scan3A_322#1 : vector<16xf32> to vector<1x16xf32>
      tpu.vector_store %arg7[%swap3A_346, %swap3A_347], %swap3A_350 {strides = array<i32>} : memref<128x64xf32, #tpu.memory_space<vmem>>, vector<1x16xf32>,
      %swap3A_351 = arith.index_cast %add3A_340 : i32 to index
      %swap3A_352 = arith.constant 32 : index
      %swap3A_353 = tpu.vector_load %arg7[%swap3A_351, %swap3A_352] {strides = array<i32>} : memref<128x64xf32, #tpu.memory_space<vmem>>, vector<1x16xf32>,
      %swap3A_354 = vector.shape_cast %swap3A_353 : vector<1x16xf32> to vector<16xf32>
      %swap3A_355 = vector.shape_cast %scan3A_322#2 : vector<16xf32> to vector<1x16xf32>
      tpu.vector_store %arg7[%swap3A_351, %swap3A_352], %swap3A_355 {strides = array<i32>} : memref<128x64xf32, #tpu.memory_space<vmem>>, vector<1x16xf32>,
      %swap3A_356 = arith.index_cast %add3A_340 : i32 to index
      %swap3A_357 = arith.constant 48 : index
      %swap3A_358 = tpu.vector_load %arg7[%swap3A_356, %swap3A_357] {strides = array<i32>} : memref<128x64xf32, #tpu.memory_space<vmem>>, vector<1x16xf32>,
      %swap3A_359 = vector.shape_cast %swap3A_358 : vector<1x16xf32> to vector<16xf32>
      %swap3A_360 = vector.shape_cast %scan3A_322#3 : vector<16xf32> to vector<1x16xf32>
      tpu.vector_store %arg7[%swap3A_356, %swap3A_357], %swap3A_360 {strides = array<i32>} : memref<128x64xf32, #tpu.memory_space<vmem>>, vector<1x16xf32>,
    }
    %scan3A_61 = arith.constant 63 : i32
    %dma_wait3A = arith.constant 252 : i32
    %dma_wait3A_62 = arith.constant 0 : i32
    %dma_wait3A_63 = arith.constant 0 : i32
    %dma_wait3A_64 = arith.constant 0 : i32
    %dma_wait3A_65 = tpu.memref_slice %arg6[%dma_wait3A_62, %dma_wait3A_63, %dma_wait3A_64] : memref<4x100x64xf32, #tpu.memory_space<vmem>> -> memref<1x100x64xf32, #tpu.memory_space<vmem>>
    %dma_wait3A_66 = tpu.memref_squeeze %dma_wait3A_65 : memref<1x100x64xf32, #tpu.memory_space<vmem>> -> memref<100x64xf32, #tpu.memory_space<vmem>>
    %dma_wait3A_67 = arith.constant 0 : i32
    %dma_wait3A_68 = tpu.memref_slice %arg5[%dma_wait3A, %dma_wait3A_67] : memref<256x100xi32, #tpu.memory_space<vmem>> -> memref<1x100xi32, #tpu.memory_space<vmem>>
    %dma_wait3A_69 = tpu.memref_squeeze %dma_wait3A_68 : memref<1x100xi32, #tpu.memory_space<vmem>> -> memref<100xi32, #tpu.memory_space<vmem>>
    %dma_wait3A_70 = arith.constant 0 : i32
    %dma_wait3A_71 = arith.constant 0 : i32
    %dma_wait3A_72 = tpu.memref_slice %arg3[%dma_wait3A_70, %dma_wait3A_71] : memref<1007616x64xf32, #tpu.memory_space<hbm>> -> memref<1007616x64xf32, #tpu.memory_space<hbm>>
    tpu.wait_indirect_dma semaphore(%arg8 : memref<!tpu.dma_semaphore, #tpu.memory_space<semaphore_mem>>) src(%dma_wait3A_72 : memref<1007616x64xf32, #tpu.memory_space<hbm>>) dst(%dma_wait3A_66 : memref<100x64xf32, #tpu.memory_space<vmem>>)
    %scan3A_73 = arith.constant 0 : i32
    %scan3A_74 = arith.constant 100 : i32
    %scan3A_75 = arith.addi %scan3A_73, %scan3A_74 : i32
    %scan3A_76 = arith.constant 4 : i32
    %scan3A_77:4 = scf.for %scan3A_182 = %scan3A_73 to %scan3A_75 step %scan3A_76 iter_args(%scan3A_183 = %broadcast_in_dim3A_50, %scan3A_184 = %broadcast_in_dim3A_52, %scan3A_185 = %broadcast_in_dim3A_54, %scan3A_186 = %broadcast_in_dim3A_56) -> (vector<16xf32>, vector<16xf32>, vector<16xf32>, vector<16xf32>)  : i32 {
      %get3A = arith.constant 0 : i32
      %get3A_187 = arith.index_cast %get3A : i32 to index
      %get3A_188 = arith.index_cast %scan3A_182 : i32 to index
      %get3A_189 = arith.constant 0 : index
      %get3A_190 = tpu.vector_load %arg6[%get3A_187, %get3A_188, %get3A_189] {strides = array<i32>} : memref<4x100x64xf32, #tpu.memory_space<vmem>>, vector<1x1x16xf32>,
      %get3A_191 = vector.shape_cast %get3A_190 : vector<1x1x16xf32> to vector<16xf32>
      %add3A_192 = arith.addf %scan3A_183, %get3A_191 : vector<16xf32>
      %get3A_193 = arith.constant 0 : i32
      %get3A_194 = arith.index_cast %get3A_193 : i32 to index
      %get3A_195 = arith.index_cast %scan3A_182 : i32 to index
      %get3A_196 = arith.constant 16 : index
      %get3A_197 = tpu.vector_load %arg6[%get3A_194, %get3A_195, %get3A_196] {strides = array<i32>} : memref<4x100x64xf32, #tpu.memory_space<vmem>>, vector<1x1x16xf32>,
      %get3A_198 = vector.shape_cast %get3A_197 : vector<1x1x16xf32> to vector<16xf32>
      %add3A_199 = arith.addf %scan3A_184, %get3A_198 : vector<16xf32>
      %get3A_200 = arith.constant 0 : i32
      %get3A_201 = arith.index_cast %get3A_200 : i32 to index
      %get3A_202 = arith.index_cast %scan3A_182 : i32 to index
      %get3A_203 = arith.constant 32 : index
      %get3A_204 = tpu.vector_load %arg6[%get3A_201, %get3A_202, %get3A_203] {strides = array<i32>} : memref<4x100x64xf32, #tpu.memory_space<vmem>>, vector<1x1x16xf32>,
      %get3A_205 = vector.shape_cast %get3A_204 : vector<1x1x16xf32> to vector<16xf32>
      %add3A_206 = arith.addf %scan3A_185, %get3A_205 : vector<16xf32>
      %get3A_207 = arith.constant 0 : i32
      %get3A_208 = arith.index_cast %get3A_207 : i32 to index
      %get3A_209 = arith.index_cast %scan3A_182 : i32 to index
      %get3A_210 = arith.constant 48 : index
      %get3A_211 = tpu.vector_load %arg6[%get3A_208, %get3A_209, %get3A_210] {strides = array<i32>} : memref<4x100x64xf32, #tpu.memory_space<vmem>>, vector<1x1x16xf32>,
      %get3A_212 = vector.shape_cast %get3A_211 : vector<1x1x16xf32> to vector<16xf32>
      %add3A_213 = arith.addf %scan3A_186, %get3A_212 : vector<16xf32>
      %scan3A_214 = arith.constant 1 : i32
      %scan3A_215 = arith.addi %scan3A_182, %scan3A_214 : i32
      %get3A_216 = arith.constant 0 : i32
      %get3A_217 = arith.index_cast %get3A_216 : i32 to index
      %get3A_218 = arith.index_cast %scan3A_215 : i32 to index
      %get3A_219 = arith.constant 0 : index
      %get3A_220 = tpu.vector_load %arg6[%get3A_217, %get3A_218, %get3A_219] {strides = array<i32>} : memref<4x100x64xf32, #tpu.memory_space<vmem>>, vector<1x1x16xf32>,
      %get3A_221 = vector.shape_cast %get3A_220 : vector<1x1x16xf32> to vector<16xf32>
      %add3A_222 = arith.addf %add3A_192, %get3A_221 : vector<16xf32>
      %get3A_223 = arith.constant 0 : i32
      %get3A_224 = arith.index_cast %get3A_223 : i32 to index
      %get3A_225 = arith.index_cast %scan3A_215 : i32 to index
      %get3A_226 = arith.constant 16 : index
      %get3A_227 = tpu.vector_load %arg6[%get3A_224, %get3A_225, %get3A_226] {strides = array<i32>} : memref<4x100x64xf32, #tpu.memory_space<vmem>>, vector<1x1x16xf32>,
      %get3A_228 = vector.shape_cast %get3A_227 : vector<1x1x16xf32> to vector<16xf32>
      %add3A_229 = arith.addf %add3A_199, %get3A_228 : vector<16xf32>
      %get3A_230 = arith.constant 0 : i32
      %get3A_231 = arith.index_cast %get3A_230 : i32 to index
      %get3A_232 = arith.index_cast %scan3A_215 : i32 to index
      %get3A_233 = arith.constant 32 : index
      %get3A_234 = tpu.vector_load %arg6[%get3A_231, %get3A_232, %get3A_233] {strides = array<i32>} : memref<4x100x64xf32, #tpu.memory_space<vmem>>, vector<1x1x16xf32>,
      %get3A_235 = vector.shape_cast %get3A_234 : vector<1x1x16xf32> to vector<16xf32>
      %add3A_236 = arith.addf %add3A_206, %get3A_235 : vector<16xf32>
      %get3A_237 = arith.constant 0 : i32
      %get3A_238 = arith.index_cast %get3A_237 : i32 to index
      %get3A_239 = arith.index_cast %scan3A_215 : i32 to index
      %get3A_240 = arith.constant 48 : index
      %get3A_241 = tpu.vector_load %arg6[%get3A_238, %get3A_239, %get3A_240] {strides = array<i32>} : memref<4x100x64xf32, #tpu.memory_space<vmem>>, vector<1x1x16xf32>,
      %get3A_242 = vector.shape_cast %get3A_241 : vector<1x1x16xf32> to vector<16xf32>
      %add3A_243 = arith.addf %add3A_213, %get3A_242 : vector<16xf32>
      %scan3A_244 = arith.constant 2 : i32
      %scan3A_245 = arith.addi %scan3A_182, %scan3A_244 : i32
      %get3A_246 = arith.constant 0 : i32
      %get3A_247 = arith.index_cast %get3A_246 : i32 to index
      %get3A_248 = arith.index_cast %scan3A_245 : i32 to index
      %get3A_249 = arith.constant 0 : index
      %get3A_250 = tpu.vector_load %arg6[%get3A_247, %get3A_248, %get3A_249] {strides = array<i32>} : memref<4x100x64xf32, #tpu.memory_space<vmem>>, vector<1x1x16xf32>,
      %get3A_251 = vector.shape_cast %get3A_250 : vector<1x1x16xf32> to vector<16xf32>
      %add3A_252 = arith.addf %add3A_222, %get3A_251 : vector<16xf32>
      %get3A_253 = arith.constant 0 : i32
      %get3A_254 = arith.index_cast %get3A_253 : i32 to index
      %get3A_255 = arith.index_cast %scan3A_245 : i32 to index
      %get3A_256 = arith.constant 16 : index
      %get3A_257 = tpu.vector_load %arg6[%get3A_254, %get3A_255, %get3A_256] {strides = array<i32>} : memref<4x100x64xf32, #tpu.memory_space<vmem>>, vector<1x1x16xf32>,
      %get3A_258 = vector.shape_cast %get3A_257 : vector<1x1x16xf32> to vector<16xf32>
      %add3A_259 = arith.addf %add3A_229, %get3A_258 : vector<16xf32>
      %get3A_260 = arith.constant 0 : i32
      %get3A_261 = arith.index_cast %get3A_260 : i32 to index
      %get3A_262 = arith.index_cast %scan3A_245 : i32 to index
      %get3A_263 = arith.constant 32 : index
      %get3A_264 = tpu.vector_load %arg6[%get3A_261, %get3A_262, %get3A_263] {strides = array<i32>} : memref<4x100x64xf32, #tpu.memory_space<vmem>>, vector<1x1x16xf32>,
      %get3A_265 = vector.shape_cast %get3A_264 : vector<1x1x16xf32> to vector<16xf32>
      %add3A_266 = arith.addf %add3A_236, %get3A_265 : vector<16xf32>
      %get3A_267 = arith.constant 0 : i32
      %get3A_268 = arith.index_cast %get3A_267 : i32 to index
      %get3A_269 = arith.index_cast %scan3A_245 : i32 to index
      %get3A_270 = arith.constant 48 : index
      %get3A_271 = tpu.vector_load %arg6[%get3A_268, %get3A_269, %get3A_270] {strides = array<i32>} : memref<4x100x64xf32, #tpu.memory_space<vmem>>, vector<1x1x16xf32>,
      %get3A_272 = vector.shape_cast %get3A_271 : vector<1x1x16xf32> to vector<16xf32>
      %add3A_273 = arith.addf %add3A_243, %get3A_272 : vector<16xf32>
      %scan3A_274 = arith.constant 3 : i32
      %scan3A_275 = arith.addi %scan3A_182, %scan3A_274 : i32
      %get3A_276 = arith.constant 0 : i32
      %get3A_277 = arith.index_cast %get3A_276 : i32 to index
      %get3A_278 = arith.index_cast %scan3A_275 : i32 to index
      %get3A_279 = arith.constant 0 : index
      %get3A_280 = tpu.vector_load %arg6[%get3A_277, %get3A_278, %get3A_279] {strides = array<i32>} : memref<4x100x64xf32, #tpu.memory_space<vmem>>, vector<1x1x16xf32>,
      %get3A_281 = vector.shape_cast %get3A_280 : vector<1x1x16xf32> to vector<16xf32>
      %add3A_282 = arith.addf %add3A_252, %get3A_281 : vector<16xf32>
      %get3A_283 = arith.constant 0 : i32
      %get3A_284 = arith.index_cast %get3A_283 : i32 to index
      %get3A_285 = arith.index_cast %scan3A_275 : i32 to index
      %get3A_286 = arith.constant 16 : index
      %get3A_287 = tpu.vector_load %arg6[%get3A_284, %get3A_285, %get3A_286] {strides = array<i32>} : memref<4x100x64xf32, #tpu.memory_space<vmem>>, vector<1x1x16xf32>,
      %get3A_288 = vector.shape_cast %get3A_287 : vector<1x1x16xf32> to vector<16xf32>
      %add3A_289 = arith.addf %add3A_259, %get3A_288 : vector<16xf32>
      %get3A_290 = arith.constant 0 : i32
      %get3A_291 = arith.index_cast %get3A_290 : i32 to index
      %get3A_292 = arith.index_cast %scan3A_275 : i32 to index
      %get3A_293 = arith.constant 32 : index
      %get3A_294 = tpu.vector_load %arg6[%get3A_291, %get3A_292, %get3A_293] {strides = array<i32>} : memref<4x100x64xf32, #tpu.memory_space<vmem>>, vector<1x1x16xf32>,
      %get3A_295 = vector.shape_cast %get3A_294 : vector<1x1x16xf32> to vector<16xf32>
      %add3A_296 = arith.addf %add3A_266, %get3A_295 : vector<16xf32>
      %get3A_297 = arith.constant 0 : i32
      %get3A_298 = arith.index_cast %get3A_297 : i32 to index
      %get3A_299 = arith.index_cast %scan3A_275 : i32 to index
      %get3A_300 = arith.constant 48 : index
      %get3A_301 = tpu.vector_load %arg6[%get3A_298, %get3A_299, %get3A_300] {strides = array<i32>} : memref<4x100x64xf32, #tpu.memory_space<vmem>>, vector<1x1x16xf32>,
      %get3A_302 = vector.shape_cast %get3A_301 : vector<1x1x16xf32> to vector<16xf32>
      %add3A_303 = arith.addf %add3A_273, %get3A_302 : vector<16xf32>
      scf.yield %add3A_282, %add3A_289, %add3A_296, %add3A_303 : vector<16xf32>, vector<16xf32>, vector<16xf32>, vector<16xf32>
    }
    %scan3A_78 = arith.constant 100 : i32
    %dma_wait3A_79 = arith.constant 253 : i32
    %dma_wait3A_80 = arith.constant 1 : i32
    %dma_wait3A_81 = arith.constant 0 : i32
    %dma_wait3A_82 = arith.constant 0 : i32
    %dma_wait3A_83 = tpu.memref_slice %arg6[%dma_wait3A_80, %dma_wait3A_81, %dma_wait3A_82] : memref<4x100x64xf32, #tpu.memory_space<vmem>> -> memref<1x100x64xf32, #tpu.memory_space<vmem>>
    %dma_wait3A_84 = tpu.memref_squeeze %dma_wait3A_83 : memref<1x100x64xf32, #tpu.memory_space<vmem>> -> memref<100x64xf32, #tpu.memory_space<vmem>>
    %dma_wait3A_85 = arith.constant 0 : i32
    %dma_wait3A_86 = tpu.memref_slice %arg5[%dma_wait3A_79, %dma_wait3A_85] : memref<256x100xi32, #tpu.memory_space<vmem>> -> memref<1x100xi32, #tpu.memory_space<vmem>>
    %dma_wait3A_87 = tpu.memref_squeeze %dma_wait3A_86 : memref<1x100xi32, #tpu.memory_space<vmem>> -> memref<100xi32, #tpu.memory_space<vmem>>
    %dma_wait3A_88 = arith.constant 0 : i32
    %dma_wait3A_89 = arith.constant 0 : i32
    %dma_wait3A_90 = tpu.memref_slice %arg3[%dma_wait3A_88, %dma_wait3A_89] : memref<1007616x64xf32, #tpu.memory_space<hbm>> -> memref<1007616x64xf32, #tpu.memory_space<hbm>>
    tpu.wait_indirect_dma semaphore(%arg9 : memref<!tpu.dma_semaphore, #tpu.memory_space<semaphore_mem>>) src(%dma_wait3A_90 : memref<1007616x64xf32, #tpu.memory_space<hbm>>) dst(%dma_wait3A_84 : memref<100x64xf32, #tpu.memory_space<vmem>>)
    %scan3A_91 = arith.constant 0 : i32
    %scan3A_92 = arith.constant 100 : i32
    %scan3A_93 = arith.addi %scan3A_91, %scan3A_92 : i32
    %scan3A_94 = arith.constant 4 : i32
    %scan3A_95:4 = scf.for %scan3A_182 = %scan3A_91 to %scan3A_93 step %scan3A_94 iter_args(%scan3A_183 = %scan3A_77#0, %scan3A_184 = %scan3A_77#1, %scan3A_185 = %scan3A_77#2, %scan3A_186 = %scan3A_77#3) -> (vector<16xf32>, vector<16xf32>, vector<16xf32>, vector<16xf32>)  : i32 {
      %get3A = arith.constant 1 : i32
      %get3A_187 = arith.index_cast %get3A : i32 to index
      %get3A_188 = arith.index_cast %scan3A_182 : i32 to index
      %get3A_189 = arith.constant 0 : index
      %get3A_190 = tpu.vector_load %arg6[%get3A_187, %get3A_188, %get3A_189] {strides = array<i32>} : memref<4x100x64xf32, #tpu.memory_space<vmem>>, vector<1x1x16xf32>,
      %get3A_191 = vector.shape_cast %get3A_190 : vector<1x1x16xf32> to vector<16xf32>
      %add3A_192 = arith.addf %scan3A_183, %get3A_191 : vector<16xf32>
      %get3A_193 = arith.constant 1 : i32
      %get3A_194 = arith.index_cast %get3A_193 : i32 to index
      %get3A_195 = arith.index_cast %scan3A_182 : i32 to index
      %get3A_196 = arith.constant 16 : index
      %get3A_197 = tpu.vector_load %arg6[%get3A_194, %get3A_195, %get3A_196] {strides = array<i32>} : memref<4x100x64xf32, #tpu.memory_space<vmem>>, vector<1x1x16xf32>,
      %get3A_198 = vector.shape_cast %get3A_197 : vector<1x1x16xf32> to vector<16xf32>
      %add3A_199 = arith.addf %scan3A_184, %get3A_198 : vector<16xf32>
      %get3A_200 = arith.constant 1 : i32
      %get3A_201 = arith.index_cast %get3A_200 : i32 to index
      %get3A_202 = arith.index_cast %scan3A_182 : i32 to index
      %get3A_203 = arith.constant 32 : index
      %get3A_204 = tpu.vector_load %arg6[%get3A_201, %get3A_202, %get3A_203] {strides = array<i32>} : memref<4x100x64xf32, #tpu.memory_space<vmem>>, vector<1x1x16xf32>,
      %get3A_205 = vector.shape_cast %get3A_204 : vector<1x1x16xf32> to vector<16xf32>
      %add3A_206 = arith.addf %scan3A_185, %get3A_205 : vector<16xf32>
      %get3A_207 = arith.constant 1 : i32
      %get3A_208 = arith.index_cast %get3A_207 : i32 to index
      %get3A_209 = arith.index_cast %scan3A_182 : i32 to index
      %get3A_210 = arith.constant 48 : index
      %get3A_211 = tpu.vector_load %arg6[%get3A_208, %get3A_209, %get3A_210] {strides = array<i32>} : memref<4x100x64xf32, #tpu.memory_space<vmem>>, vector<1x1x16xf32>,
      %get3A_212 = vector.shape_cast %get3A_211 : vector<1x1x16xf32> to vector<16xf32>
      %add3A_213 = arith.addf %scan3A_186, %get3A_212 : vector<16xf32>
      %scan3A_214 = arith.constant 1 : i32
      %scan3A_215 = arith.addi %scan3A_182, %scan3A_214 : i32
      %get3A_216 = arith.constant 1 : i32
      %get3A_217 = arith.index_cast %get3A_216 : i32 to index
      %get3A_218 = arith.index_cast %scan3A_215 : i32 to index
      %get3A_219 = arith.constant 0 : index
      %get3A_220 = tpu.vector_load %arg6[%get3A_217, %get3A_218, %get3A_219] {strides = array<i32>} : memref<4x100x64xf32, #tpu.memory_space<vmem>>, vector<1x1x16xf32>,
      %get3A_221 = vector.shape_cast %get3A_220 : vector<1x1x16xf32> to vector<16xf32>
      %add3A_222 = arith.addf %add3A_192, %get3A_221 : vector<16xf32>
      %get3A_223 = arith.constant 1 : i32
      %get3A_224 = arith.index_cast %get3A_223 : i32 to index
      %get3A_225 = arith.index_cast %scan3A_215 : i32 to index
      %get3A_226 = arith.constant 16 : index
      %get3A_227 = tpu.vector_load %arg6[%get3A_224, %get3A_225, %get3A_226] {strides = array<i32>} : memref<4x100x64xf32, #tpu.memory_space<vmem>>, vector<1x1x16xf32>,
      %get3A_228 = vector.shape_cast %get3A_227 : vector<1x1x16xf32> to vector<16xf32>
      %add3A_229 = arith.addf %add3A_199, %get3A_228 : vector<16xf32>
      %get3A_230 = arith.constant 1 : i32
      %get3A_231 = arith.index_cast %get3A_230 : i32 to index
      %get3A_232 = arith.index_cast %scan3A_215 : i32 to index
      %get3A_233 = arith.constant 32 : index
      %get3A_234 = tpu.vector_load %arg6[%get3A_231, %get3A_232, %get3A_233] {strides = array<i32>} : memref<4x100x64xf32, #tpu.memory_space<vmem>>, vector<1x1x16xf32>,
      %get3A_235 = vector.shape_cast %get3A_234 : vector<1x1x16xf32> to vector<16xf32>
      %add3A_236 = arith.addf %add3A_206, %get3A_235 : vector<16xf32>
      %get3A_237 = arith.constant 1 : i32
      %get3A_238 = arith.index_cast %get3A_237 : i32 to index
      %get3A_239 = arith.index_cast %scan3A_215 : i32 to index
      %get3A_240 = arith.constant 48 : index
      %get3A_241 = tpu.vector_load %arg6[%get3A_238, %get3A_239, %get3A_240] {strides = array<i32>} : memref<4x100x64xf32, #tpu.memory_space<vmem>>, vector<1x1x16xf32>,
      %get3A_242 = vector.shape_cast %get3A_241 : vector<1x1x16xf32> to vector<16xf32>
      %add3A_243 = arith.addf %add3A_213, %get3A_242 : vector<16xf32>
      %scan3A_244 = arith.constant 2 : i32
      %scan3A_245 = arith.addi %scan3A_182, %scan3A_244 : i32
      %get3A_246 = arith.constant 1 : i32
      %get3A_247 = arith.index_cast %get3A_246 : i32 to index
      %get3A_248 = arith.index_cast %scan3A_245 : i32 to index
      %get3A_249 = arith.constant 0 : index
      %get3A_250 = tpu.vector_load %arg6[%get3A_247, %get3A_248, %get3A_249] {strides = array<i32>} : memref<4x100x64xf32, #tpu.memory_space<vmem>>, vector<1x1x16xf32>,
      %get3A_251 = vector.shape_cast %get3A_250 : vector<1x1x16xf32> to vector<16xf32>
      %add3A_252 = arith.addf %add3A_222, %get3A_251 : vector<16xf32>
      %get3A_253 = arith.constant 1 : i32
      %get3A_254 = arith.index_cast %get3A_253 : i32 to index
      %get3A_255 = arith.index_cast %scan3A_245 : i32 to index
      %get3A_256 = arith.constant 16 : index
      %get3A_257 = tpu.vector_load %arg6[%get3A_254, %get3A_255, %get3A_256] {strides = array<i32>} : memref<4x100x64xf32, #tpu.memory_space<vmem>>, vector<1x1x16xf32>,
      %get3A_258 = vector.shape_cast %get3A_257 : vector<1x1x16xf32> to vector<16xf32>
      %add3A_259 = arith.addf %add3A_229, %get3A_258 : vector<16xf32>
      %get3A_260 = arith.constant 1 : i32
      %get3A_261 = arith.index_cast %get3A_260 : i32 to index
      %get3A_262 = arith.index_cast %scan3A_245 : i32 to index
      %get3A_263 = arith.constant 32 : index
      %get3A_264 = tpu.vector_load %arg6[%get3A_261, %get3A_262, %get3A_263] {strides = array<i32>} : memref<4x100x64xf32, #tpu.memory_space<vmem>>, vector<1x1x16xf32>,
      %get3A_265 = vector.shape_cast %get3A_264 : vector<1x1x16xf32> to vector<16xf32>
      %add3A_266 = arith.addf %add3A_236, %get3A_265 : vector<16xf32>
      %get3A_267 = arith.constant 1 : i32
      %get3A_268 = arith.index_cast %get3A_267 : i32 to index
      %get3A_269 = arith.index_cast %scan3A_245 : i32 to index
      %get3A_270 = arith.constant 48 : index
      %get3A_271 = tpu.vector_load %arg6[%get3A_268, %get3A_269, %get3A_270] {strides = array<i32>} : memref<4x100x64xf32, #tpu.memory_space<vmem>>, vector<1x1x16xf32>,
      %get3A_272 = vector.shape_cast %get3A_271 : vector<1x1x16xf32> to vector<16xf32>
      %add3A_273 = arith.addf %add3A_243, %get3A_272 : vector<16xf32>
      %scan3A_274 = arith.constant 3 : i32
      %scan3A_275 = arith.addi %scan3A_182, %scan3A_274 : i32
      %get3A_276 = arith.constant 1 : i32
      %get3A_277 = arith.index_cast %get3A_276 : i32 to index
      %get3A_278 = arith.index_cast %scan3A_275 : i32 to index
      %get3A_279 = arith.constant 0 : index
      %get3A_280 = tpu.vector_load %arg6[%get3A_277, %get3A_278, %get3A_279] {strides = array<i32>} : memref<4x100x64xf32, #tpu.memory_space<vmem>>, vector<1x1x16xf32>,
      %get3A_281 = vector.shape_cast %get3A_280 : vector<1x1x16xf32> to vector<16xf32>
      %add3A_282 = arith.addf %add3A_252, %get3A_281 : vector<16xf32>
      %get3A_283 = arith.constant 1 : i32
      %get3A_284 = arith.index_cast %get3A_283 : i32 to index
      %get3A_285 = arith.index_cast %scan3A_275 : i32 to index
      %get3A_286 = arith.constant 16 : index
      %get3A_287 = tpu.vector_load %arg6[%get3A_284, %get3A_285, %get3A_286] {strides = array<i32>} : memref<4x100x64xf32, #tpu.memory_space<vmem>>, vector<1x1x16xf32>,
      %get3A_288 = vector.shape_cast %get3A_287 : vector<1x1x16xf32> to vector<16xf32>
      %add3A_289 = arith.addf %add3A_259, %get3A_288 : vector<16xf32>
      %get3A_290 = arith.constant 1 : i32
      %get3A_291 = arith.index_cast %get3A_290 : i32 to index
      %get3A_292 = arith.index_cast %scan3A_275 : i32 to index
      %get3A_293 = arith.constant 32 : index
      %get3A_294 = tpu.vector_load %arg6[%get3A_291, %get3A_292, %get3A_293] {strides = array<i32>} : memref<4x100x64xf32, #tpu.memory_space<vmem>>, vector<1x1x16xf32>,
      %get3A_295 = vector.shape_cast %get3A_294 : vector<1x1x16xf32> to vector<16xf32>
      %add3A_296 = arith.addf %add3A_266, %get3A_295 : vector<16xf32>
      %get3A_297 = arith.constant 1 : i32
      %get3A_298 = arith.index_cast %get3A_297 : i32 to index
      %get3A_299 = arith.index_cast %scan3A_275 : i32 to index
      %get3A_300 = arith.constant 48 : index
      %get3A_301 = tpu.vector_load %arg6[%get3A_298, %get3A_299, %get3A_300] {strides = array<i32>} : memref<4x100x64xf32, #tpu.memory_space<vmem>>, vector<1x1x16xf32>,
      %get3A_302 = vector.shape_cast %get3A_301 : vector<1x1x16xf32> to vector<16xf32>
      %add3A_303 = arith.addf %add3A_273, %get3A_302 : vector<16xf32>
      scf.yield %add3A_282, %add3A_289, %add3A_296, %add3A_303 : vector<16xf32>, vector<16xf32>, vector<16xf32>, vector<16xf32>
    }
    %scan3A_96 = arith.constant 100 : i32
    %swap3A = arith.constant 126 : i32
    %swap3A_97 = arith.index_cast %swap3A : i32 to index
    %swap3A_98 = arith.constant 0 : index
    %swap3A_99 = tpu.vector_load %arg7[%swap3A_97, %swap3A_98] {strides = array<i32>} : memref<128x64xf32, #tpu.memory_space<vmem>>, vector<1x16xf32>,
    %swap3A_100 = vector.shape_cast %swap3A_99 : vector<1x16xf32> to vector<16xf32>
    %swap3A_101 = vector.shape_cast %scan3A_95#0 : vector<16xf32> to vector<1x16xf32>
    tpu.vector_store %arg7[%swap3A_97, %swap3A_98], %swap3A_101 {strides = array<i32>} : memref<128x64xf32, #tpu.memory_space<vmem>>, vector<1x16xf32>,
    %swap3A_102 = arith.constant 126 : i32
    %swap3A_103 = arith.index_cast %swap3A_102 : i32 to index
    %swap3A_104 = arith.constant 16 : index
    %swap3A_105 = tpu.vector_load %arg7[%swap3A_103, %swap3A_104] {strides = array<i32>} : memref<128x64xf32, #tpu.memory_space<vmem>>, vector<1x16xf32>,
    %swap3A_106 = vector.shape_cast %swap3A_105 : vector<1x16xf32> to vector<16xf32>
    %swap3A_107 = vector.shape_cast %scan3A_95#1 : vector<16xf32> to vector<1x16xf32>
    tpu.vector_store %arg7[%swap3A_103, %swap3A_104], %swap3A_107 {strides = array<i32>} : memref<128x64xf32, #tpu.memory_space<vmem>>, vector<1x16xf32>,
    %swap3A_108 = arith.constant 126 : i32
    %swap3A_109 = arith.index_cast %swap3A_108 : i32 to index
    %swap3A_110 = arith.constant 32 : index
    %swap3A_111 = tpu.vector_load %arg7[%swap3A_109, %swap3A_110] {strides = array<i32>} : memref<128x64xf32, #tpu.memory_space<vmem>>, vector<1x16xf32>,
    %swap3A_112 = vector.shape_cast %swap3A_111 : vector<1x16xf32> to vector<16xf32>
    %swap3A_113 = vector.shape_cast %scan3A_95#2 : vector<16xf32> to vector<1x16xf32>
    tpu.vector_store %arg7[%swap3A_109, %swap3A_110], %swap3A_113 {strides = array<i32>} : memref<128x64xf32, #tpu.memory_space<vmem>>, vector<1x16xf32>,
    %swap3A_114 = arith.constant 126 : i32
    %swap3A_115 = arith.index_cast %swap3A_114 : i32 to index
    %swap3A_116 = arith.constant 48 : index
    %swap3A_117 = tpu.vector_load %arg7[%swap3A_115, %swap3A_116] {strides = array<i32>} : memref<128x64xf32, #tpu.memory_space<vmem>>, vector<1x16xf32>,
    %swap3A_118 = vector.shape_cast %swap3A_117 : vector<1x16xf32> to vector<16xf32>
    %swap3A_119 = vector.shape_cast %scan3A_95#3 : vector<16xf32> to vector<1x16xf32>
    tpu.vector_store %arg7[%swap3A_115, %swap3A_116], %swap3A_119 {strides = array<i32>} : memref<128x64xf32, #tpu.memory_space<vmem>>, vector<1x16xf32>,
    %dma_wait3A_120 = arith.constant 254 : i32
    %dma_wait3A_121 = arith.constant 2 : i32
    %dma_wait3A_122 = arith.constant 0 : i32
    %dma_wait3A_123 = arith.constant 0 : i32
    %dma_wait3A_124 = tpu.memref_slice %arg6[%dma_wait3A_121, %dma_wait3A_122, %dma_wait3A_123] : memref<4x100x64xf32, #tpu.memory_space<vmem>> -> memref<1x100x64xf32, #tpu.memory_space<vmem>>
    %dma_wait3A_125 = tpu.memref_squeeze %dma_wait3A_124 : memref<1x100x64xf32, #tpu.memory_space<vmem>> -> memref<100x64xf32, #tpu.memory_space<vmem>>
    %dma_wait3A_126 = arith.constant 0 : i32
    %dma_wait3A_127 = tpu.memref_slice %arg5[%dma_wait3A_120, %dma_wait3A_126] : memref<256x100xi32, #tpu.memory_space<vmem>> -> memref<1x100xi32, #tpu.memory_space<vmem>>
    %dma_wait3A_128 = tpu.memref_squeeze %dma_wait3A_127 : memref<1x100xi32, #tpu.memory_space<vmem>> -> memref<100xi32, #tpu.memory_space<vmem>>
    %dma_wait3A_129 = arith.constant 0 : i32
    %dma_wait3A_130 = arith.constant 0 : i32
    %dma_wait3A_131 = tpu.memref_slice %arg3[%dma_wait3A_129, %dma_wait3A_130] : memref<1007616x64xf32, #tpu.memory_space<hbm>> -> memref<1007616x64xf32, #tpu.memory_space<hbm>>
    tpu.wait_indirect_dma semaphore(%arg10 : memref<!tpu.dma_semaphore, #tpu.memory_space<semaphore_mem>>) src(%dma_wait3A_131 : memref<1007616x64xf32, #tpu.memory_space<hbm>>) dst(%dma_wait3A_125 : memref<100x64xf32, #tpu.memory_space<vmem>>)
    %scan3A_132 = arith.constant 0 : i32
    %scan3A_133 = arith.constant 100 : i32
    %scan3A_134 = arith.addi %scan3A_132, %scan3A_133 : i32
    %scan3A_135 = arith.constant 4 : i32
    %scan3A_136:4 = scf.for %scan3A_182 = %scan3A_132 to %scan3A_134 step %scan3A_135 iter_args(%scan3A_183 = %broadcast_in_dim3A_50, %scan3A_184 = %broadcast_in_dim3A_52, %scan3A_185 = %broadcast_in_dim3A_54, %scan3A_186 = %broadcast_in_dim3A_56) -> (vector<16xf32>, vector<16xf32>, vector<16xf32>, vector<16xf32>)  : i32 {
      %get3A = arith.constant 2 : i32
      %get3A_187 = arith.index_cast %get3A : i32 to index
      %get3A_188 = arith.index_cast %scan3A_182 : i32 to index
      %get3A_189 = arith.constant 0 : index
      %get3A_190 = tpu.vector_load %arg6[%get3A_187, %get3A_188, %get3A_189] {strides = array<i32>} : memref<4x100x64xf32, #tpu.memory_space<vmem>>, vector<1x1x16xf32>,
      %get3A_191 = vector.shape_cast %get3A_190 : vector<1x1x16xf32> to vector<16xf32>
      %add3A_192 = arith.addf %scan3A_183, %get3A_191 : vector<16xf32>
      %get3A_193 = arith.constant 2 : i32
      %get3A_194 = arith.index_cast %get3A_193 : i32 to index
      %get3A_195 = arith.index_cast %scan3A_182 : i32 to index
      %get3A_196 = arith.constant 16 : index
      %get3A_197 = tpu.vector_load %arg6[%get3A_194, %get3A_195, %get3A_196] {strides = array<i32>} : memref<4x100x64xf32, #tpu.memory_space<vmem>>, vector<1x1x16xf32>,
      %get3A_198 = vector.shape_cast %get3A_197 : vector<1x1x16xf32> to vector<16xf32>
      %add3A_199 = arith.addf %scan3A_184, %get3A_198 : vector<16xf32>
      %get3A_200 = arith.constant 2 : i32
      %get3A_201 = arith.index_cast %get3A_200 : i32 to index
      %get3A_202 = arith.index_cast %scan3A_182 : i32 to index
      %get3A_203 = arith.constant 32 : index
      %get3A_204 = tpu.vector_load %arg6[%get3A_201, %get3A_202, %get3A_203] {strides = array<i32>} : memref<4x100x64xf32, #tpu.memory_space<vmem>>, vector<1x1x16xf32>,
      %get3A_205 = vector.shape_cast %get3A_204 : vector<1x1x16xf32> to vector<16xf32>
      %add3A_206 = arith.addf %scan3A_185, %get3A_205 : vector<16xf32>
      %get3A_207 = arith.constant 2 : i32
      %get3A_208 = arith.index_cast %get3A_207 : i32 to index
      %get3A_209 = arith.index_cast %scan3A_182 : i32 to index
      %get3A_210 = arith.constant 48 : index
      %get3A_211 = tpu.vector_load %arg6[%get3A_208, %get3A_209, %get3A_210] {strides = array<i32>} : memref<4x100x64xf32, #tpu.memory_space<vmem>>, vector<1x1x16xf32>,
      %get3A_212 = vector.shape_cast %get3A_211 : vector<1x1x16xf32> to vector<16xf32>
      %add3A_213 = arith.addf %scan3A_186, %get3A_212 : vector<16xf32>
      %scan3A_214 = arith.constant 1 : i32
      %scan3A_215 = arith.addi %scan3A_182, %scan3A_214 : i32
      %get3A_216 = arith.constant 2 : i32
      %get3A_217 = arith.index_cast %get3A_216 : i32 to index
      %get3A_218 = arith.index_cast %scan3A_215 : i32 to index
      %get3A_219 = arith.constant 0 : index
      %get3A_220 = tpu.vector_load %arg6[%get3A_217, %get3A_218, %get3A_219] {strides = array<i32>} : memref<4x100x64xf32, #tpu.memory_space<vmem>>, vector<1x1x16xf32>,
      %get3A_221 = vector.shape_cast %get3A_220 : vector<1x1x16xf32> to vector<16xf32>
      %add3A_222 = arith.addf %add3A_192, %get3A_221 : vector<16xf32>
      %get3A_223 = arith.constant 2 : i32
      %get3A_224 = arith.index_cast %get3A_223 : i32 to index
      %get3A_225 = arith.index_cast %scan3A_215 : i32 to index
      %get3A_226 = arith.constant 16 : index
      %get3A_227 = tpu.vector_load %arg6[%get3A_224, %get3A_225, %get3A_226] {strides = array<i32>} : memref<4x100x64xf32, #tpu.memory_space<vmem>>, vector<1x1x16xf32>,
      %get3A_228 = vector.shape_cast %get3A_227 : vector<1x1x16xf32> to vector<16xf32>
      %add3A_229 = arith.addf %add3A_199, %get3A_228 : vector<16xf32>
      %get3A_230 = arith.constant 2 : i32
      %get3A_231 = arith.index_cast %get3A_230 : i32 to index
      %get3A_232 = arith.index_cast %scan3A_215 : i32 to index
      %get3A_233 = arith.constant 32 : index
      %get3A_234 = tpu.vector_load %arg6[%get3A_231, %get3A_232, %get3A_233] {strides = array<i32>} : memref<4x100x64xf32, #tpu.memory_space<vmem>>, vector<1x1x16xf32>,
      %get3A_235 = vector.shape_cast %get3A_234 : vector<1x1x16xf32> to vector<16xf32>
      %add3A_236 = arith.addf %add3A_206, %get3A_235 : vector<16xf32>
      %get3A_237 = arith.constant 2 : i32
      %get3A_238 = arith.index_cast %get3A_237 : i32 to index
      %get3A_239 = arith.index_cast %scan3A_215 : i32 to index
      %get3A_240 = arith.constant 48 : index
      %get3A_241 = tpu.vector_load %arg6[%get3A_238, %get3A_239, %get3A_240] {strides = array<i32>} : memref<4x100x64xf32, #tpu.memory_space<vmem>>, vector<1x1x16xf32>,
      %get3A_242 = vector.shape_cast %get3A_241 : vector<1x1x16xf32> to vector<16xf32>
      %add3A_243 = arith.addf %add3A_213, %get3A_242 : vector<16xf32>
      %scan3A_244 = arith.constant 2 : i32
      %scan3A_245 = arith.addi %scan3A_182, %scan3A_244 : i32
      %get3A_246 = arith.constant 2 : i32
      %get3A_247 = arith.index_cast %get3A_246 : i32 to index
      %get3A_248 = arith.index_cast %scan3A_245 : i32 to index
      %get3A_249 = arith.constant 0 : index
      %get3A_250 = tpu.vector_load %arg6[%get3A_247, %get3A_248, %get3A_249] {strides = array<i32>} : memref<4x100x64xf32, #tpu.memory_space<vmem>>, vector<1x1x16xf32>,
      %get3A_251 = vector.shape_cast %get3A_250 : vector<1x1x16xf32> to vector<16xf32>
      %add3A_252 = arith.addf %add3A_222, %get3A_251 : vector<16xf32>
      %get3A_253 = arith.constant 2 : i32
      %get3A_254 = arith.index_cast %get3A_253 : i32 to index
      %get3A_255 = arith.index_cast %scan3A_245 : i32 to index
      %get3A_256 = arith.constant 16 : index
      %get3A_257 = tpu.vector_load %arg6[%get3A_254, %get3A_255, %get3A_256] {strides = array<i32>} : memref<4x100x64xf32, #tpu.memory_space<vmem>>, vector<1x1x16xf32>,
      %get3A_258 = vector.shape_cast %get3A_257 : vector<1x1x16xf32> to vector<16xf32>
      %add3A_259 = arith.addf %add3A_229, %get3A_258 : vector<16xf32>
      %get3A_260 = arith.constant 2 : i32
      %get3A_261 = arith.index_cast %get3A_260 : i32 to index
      %get3A_262 = arith.index_cast %scan3A_245 : i32 to index
      %get3A_263 = arith.constant 32 : index
      %get3A_264 = tpu.vector_load %arg6[%get3A_261, %get3A_262, %get3A_263] {strides = array<i32>} : memref<4x100x64xf32, #tpu.memory_space<vmem>>, vector<1x1x16xf32>,
      %get3A_265 = vector.shape_cast %get3A_264 : vector<1x1x16xf32> to vector<16xf32>
      %add3A_266 = arith.addf %add3A_236, %get3A_265 : vector<16xf32>
      %get3A_267 = arith.constant 2 : i32
      %get3A_268 = arith.index_cast %get3A_267 : i32 to index
      %get3A_269 = arith.index_cast %scan3A_245 : i32 to index
      %get3A_270 = arith.constant 48 : index
      %get3A_271 = tpu.vector_load %arg6[%get3A_268, %get3A_269, %get3A_270] {strides = array<i32>} : memref<4x100x64xf32, #tpu.memory_space<vmem>>, vector<1x1x16xf32>,
      %get3A_272 = vector.shape_cast %get3A_271 : vector<1x1x16xf32> to vector<16xf32>
      %add3A_273 = arith.addf %add3A_243, %get3A_272 : vector<16xf32>
      %scan3A_274 = arith.constant 3 : i32
      %scan3A_275 = arith.addi %scan3A_182, %scan3A_274 : i32
      %get3A_276 = arith.constant 2 : i32
      %get3A_277 = arith.index_cast %get3A_276 : i32 to index
      %get3A_278 = arith.index_cast %scan3A_275 : i32 to index
      %get3A_279 = arith.constant 0 : index
      %get3A_280 = tpu.vector_load %arg6[%get3A_277, %get3A_278, %get3A_279] {strides = array<i32>} : memref<4x100x64xf32, #tpu.memory_space<vmem>>, vector<1x1x16xf32>,
      %get3A_281 = vector.shape_cast %get3A_280 : vector<1x1x16xf32> to vector<16xf32>
      %add3A_282 = arith.addf %add3A_252, %get3A_281 : vector<16xf32>
      %get3A_283 = arith.constant 2 : i32
      %get3A_284 = arith.index_cast %get3A_283 : i32 to index
      %get3A_285 = arith.index_cast %scan3A_275 : i32 to index
      %get3A_286 = arith.constant 16 : index
      %get3A_287 = tpu.vector_load %arg6[%get3A_284, %get3A_285, %get3A_286] {strides = array<i32>} : memref<4x100x64xf32, #tpu.memory_space<vmem>>, vector<1x1x16xf32>,
      %get3A_288 = vector.shape_cast %get3A_287 : vector<1x1x16xf32> to vector<16xf32>
      %add3A_289 = arith.addf %add3A_259, %get3A_288 : vector<16xf32>
      %get3A_290 = arith.constant 2 : i32
      %get3A_291 = arith.index_cast %get3A_290 : i32 to index
      %get3A_292 = arith.index_cast %scan3A_275 : i32 to index
      %get3A_293 = arith.constant 32 : index
      %get3A_294 = tpu.vector_load %arg6[%get3A_291, %get3A_292, %get3A_293] {strides = array<i32>} : memref<4x100x64xf32, #tpu.memory_space<vmem>>, vector<1x1x16xf32>,
      %get3A_295 = vector.shape_cast %get3A_294 : vector<1x1x16xf32> to vector<16xf32>
      %add3A_296 = arith.addf %add3A_266, %get3A_295 : vector<16xf32>
      %get3A_297 = arith.constant 2 : i32
      %get3A_298 = arith.index_cast %get3A_297 : i32 to index
      %get3A_299 = arith.index_cast %scan3A_275 : i32 to index
      %get3A_300 = arith.constant 48 : index
      %get3A_301 = tpu.vector_load %arg6[%get3A_298, %get3A_299, %get3A_300] {strides = array<i32>} : memref<4x100x64xf32, #tpu.memory_space<vmem>>, vector<1x1x16xf32>,
      %get3A_302 = vector.shape_cast %get3A_301 : vector<1x1x16xf32> to vector<16xf32>
      %add3A_303 = arith.addf %add3A_273, %get3A_302 : vector<16xf32>
      scf.yield %add3A_282, %add3A_289, %add3A_296, %add3A_303 : vector<16xf32>, vector<16xf32>, vector<16xf32>, vector<16xf32>
    }
    %scan3A_137 = arith.constant 100 : i32
    %dma_wait3A_138 = arith.constant 255 : i32
    %dma_wait3A_139 = arith.constant 3 : i32
    %dma_wait3A_140 = arith.constant 0 : i32
    %dma_wait3A_141 = arith.constant 0 : i32
    %dma_wait3A_142 = tpu.memref_slice %arg6[%dma_wait3A_139, %dma_wait3A_140, %dma_wait3A_141] : memref<4x100x64xf32, #tpu.memory_space<vmem>> -> memref<1x100x64xf32, #tpu.memory_space<vmem>>
    %dma_wait3A_143 = tpu.memref_squeeze %dma_wait3A_142 : memref<1x100x64xf32, #tpu.memory_space<vmem>> -> memref<100x64xf32, #tpu.memory_space<vmem>>
    %dma_wait3A_144 = arith.constant 0 : i32
    %dma_wait3A_145 = tpu.memref_slice %arg5[%dma_wait3A_138, %dma_wait3A_144] : memref<256x100xi32, #tpu.memory_space<vmem>> -> memref<1x100xi32, #tpu.memory_space<vmem>>
    %dma_wait3A_146 = tpu.memref_squeeze %dma_wait3A_145 : memref<1x100xi32, #tpu.memory_space<vmem>> -> memref<100xi32, #tpu.memory_space<vmem>>
    %dma_wait3A_147 = arith.constant 0 : i32
    %dma_wait3A_148 = arith.constant 0 : i32
    %dma_wait3A_149 = tpu.memref_slice %arg3[%dma_wait3A_147, %dma_wait3A_148] : memref<1007616x64xf32, #tpu.memory_space<hbm>> -> memref<1007616x64xf32, #tpu.memory_space<hbm>>
    tpu.wait_indirect_dma semaphore(%arg11 : memref<!tpu.dma_semaphore, #tpu.memory_space<semaphore_mem>>) src(%dma_wait3A_149 : memref<1007616x64xf32, #tpu.memory_space<hbm>>) dst(%dma_wait3A_143 : memref<100x64xf32, #tpu.memory_space<vmem>>)
    %scan3A_150 = arith.constant 0 : i32
    %scan3A_151 = arith.constant 100 : i32
    %scan3A_152 = arith.addi %scan3A_150, %scan3A_151 : i32
    %scan3A_153 = arith.constant 4 : i32
    %scan3A_154:4 = scf.for %scan3A_182 = %scan3A_150 to %scan3A_152 step %scan3A_153 iter_args(%scan3A_183 = %scan3A_136#0, %scan3A_184 = %scan3A_136#1, %scan3A_185 = %scan3A_136#2, %scan3A_186 = %scan3A_136#3) -> (vector<16xf32>, vector<16xf32>, vector<16xf32>, vector<16xf32>)  : i32 {
      %get3A = arith.constant 3 : i32
      %get3A_187 = arith.index_cast %get3A : i32 to index
      %get3A_188 = arith.index_cast %scan3A_182 : i32 to index
      %get3A_189 = arith.constant 0 : index
      %get3A_190 = tpu.vector_load %arg6[%get3A_187, %get3A_188, %get3A_189] {strides = array<i32>} : memref<4x100x64xf32, #tpu.memory_space<vmem>>, vector<1x1x16xf32>,
      %get3A_191 = vector.shape_cast %get3A_190 : vector<1x1x16xf32> to vector<16xf32>
      %add3A_192 = arith.addf %scan3A_183, %get3A_191 : vector<16xf32>
      %get3A_193 = arith.constant 3 : i32
      %get3A_194 = arith.index_cast %get3A_193 : i32 to index
      %get3A_195 = arith.index_cast %scan3A_182 : i32 to index
      %get3A_196 = arith.constant 16 : index
      %get3A_197 = tpu.vector_load %arg6[%get3A_194, %get3A_195, %get3A_196] {strides = array<i32>} : memref<4x100x64xf32, #tpu.memory_space<vmem>>, vector<1x1x16xf32>,
      %get3A_198 = vector.shape_cast %get3A_197 : vector<1x1x16xf32> to vector<16xf32>
      %add3A_199 = arith.addf %scan3A_184, %get3A_198 : vector<16xf32>
      %get3A_200 = arith.constant 3 : i32
      %get3A_201 = arith.index_cast %get3A_200 : i32 to index
      %get3A_202 = arith.index_cast %scan3A_182 : i32 to index
      %get3A_203 = arith.constant 32 : index
      %get3A_204 = tpu.vector_load %arg6[%get3A_201, %get3A_202, %get3A_203] {strides = array<i32>} : memref<4x100x64xf32, #tpu.memory_space<vmem>>, vector<1x1x16xf32>,
      %get3A_205 = vector.shape_cast %get3A_204 : vector<1x1x16xf32> to vector<16xf32>
      %add3A_206 = arith.addf %scan3A_185, %get3A_205 : vector<16xf32>
      %get3A_207 = arith.constant 3 : i32
      %get3A_208 = arith.index_cast %get3A_207 : i32 to index
      %get3A_209 = arith.index_cast %scan3A_182 : i32 to index
      %get3A_210 = arith.constant 48 : index
      %get3A_211 = tpu.vector_load %arg6[%get3A_208, %get3A_209, %get3A_210] {strides = array<i32>} : memref<4x100x64xf32, #tpu.memory_space<vmem>>, vector<1x1x16xf32>,
      %get3A_212 = vector.shape_cast %get3A_211 : vector<1x1x16xf32> to vector<16xf32>
      %add3A_213 = arith.addf %scan3A_186, %get3A_212 : vector<16xf32>
      %scan3A_214 = arith.constant 1 : i32
      %scan3A_215 = arith.addi %scan3A_182, %scan3A_214 : i32
      %get3A_216 = arith.constant 3 : i32
      %get3A_217 = arith.index_cast %get3A_216 : i32 to index
      %get3A_218 = arith.index_cast %scan3A_215 : i32 to index
      %get3A_219 = arith.constant 0 : index
      %get3A_220 = tpu.vector_load %arg6[%get3A_217, %get3A_218, %get3A_219] {strides = array<i32>} : memref<4x100x64xf32, #tpu.memory_space<vmem>>, vector<1x1x16xf32>,
      %get3A_221 = vector.shape_cast %get3A_220 : vector<1x1x16xf32> to vector<16xf32>
      %add3A_222 = arith.addf %add3A_192, %get3A_221 : vector<16xf32>
      %get3A_223 = arith.constant 3 : i32
      %get3A_224 = arith.index_cast %get3A_223 : i32 to index
      %get3A_225 = arith.index_cast %scan3A_215 : i32 to index
      %get3A_226 = arith.constant 16 : index
      %get3A_227 = tpu.vector_load %arg6[%get3A_224, %get3A_225, %get3A_226] {strides = array<i32>} : memref<4x100x64xf32, #tpu.memory_space<vmem>>, vector<1x1x16xf32>,
      %get3A_228 = vector.shape_cast %get3A_227 : vector<1x1x16xf32> to vector<16xf32>
      %add3A_229 = arith.addf %add3A_199, %get3A_228 : vector<16xf32>
      %get3A_230 = arith.constant 3 : i32
      %get3A_231 = arith.index_cast %get3A_230 : i32 to index
      %get3A_232 = arith.index_cast %scan3A_215 : i32 to index
      %get3A_233 = arith.constant 32 : index
      %get3A_234 = tpu.vector_load %arg6[%get3A_231, %get3A_232, %get3A_233] {strides = array<i32>} : memref<4x100x64xf32, #tpu.memory_space<vmem>>, vector<1x1x16xf32>,
      %get3A_235 = vector.shape_cast %get3A_234 : vector<1x1x16xf32> to vector<16xf32>
      %add3A_236 = arith.addf %add3A_206, %get3A_235 : vector<16xf32>
      %get3A_237 = arith.constant 3 : i32
      %get3A_238 = arith.index_cast %get3A_237 : i32 to index
      %get3A_239 = arith.index_cast %scan3A_215 : i32 to index
      %get3A_240 = arith.constant 48 : index
      %get3A_241 = tpu.vector_load %arg6[%get3A_238, %get3A_239, %get3A_240] {strides = array<i32>} : memref<4x100x64xf32, #tpu.memory_space<vmem>>, vector<1x1x16xf32>,
      %get3A_242 = vector.shape_cast %get3A_241 : vector<1x1x16xf32> to vector<16xf32>
      %add3A_243 = arith.addf %add3A_213, %get3A_242 : vector<16xf32>
      %scan3A_244 = arith.constant 2 : i32
      %scan3A_245 = arith.addi %scan3A_182, %scan3A_244 : i32
      %get3A_246 = arith.constant 3 : i32
      %get3A_247 = arith.index_cast %get3A_246 : i32 to index
      %get3A_248 = arith.index_cast %scan3A_245 : i32 to index
      %get3A_249 = arith.constant 0 : index
      %get3A_250 = tpu.vector_load %arg6[%get3A_247, %get3A_248, %get3A_249] {strides = array<i32>} : memref<4x100x64xf32, #tpu.memory_space<vmem>>, vector<1x1x16xf32>,
      %get3A_251 = vector.shape_cast %get3A_250 : vector<1x1x16xf32> to vector<16xf32>
      %add3A_252 = arith.addf %add3A_222, %get3A_251 : vector<16xf32>
      %get3A_253 = arith.constant 3 : i32
      %get3A_254 = arith.index_cast %get3A_253 : i32 to index
      %get3A_255 = arith.index_cast %scan3A_245 : i32 to index
      %get3A_256 = arith.constant 16 : index
      %get3A_257 = tpu.vector_load %arg6[%get3A_254, %get3A_255, %get3A_256] {strides = array<i32>} : memref<4x100x64xf32, #tpu.memory_space<vmem>>, vector<1x1x16xf32>,
      %get3A_258 = vector.shape_cast %get3A_257 : vector<1x1x16xf32> to vector<16xf32>
      %add3A_259 = arith.addf %add3A_229, %get3A_258 : vector<16xf32>
      %get3A_260 = arith.constant 3 : i32
      %get3A_261 = arith.index_cast %get3A_260 : i32 to index
      %get3A_262 = arith.index_cast %scan3A_245 : i32 to index
      %get3A_263 = arith.constant 32 : index
      %get3A_264 = tpu.vector_load %arg6[%get3A_261, %get3A_262, %get3A_263] {strides = array<i32>} : memref<4x100x64xf32, #tpu.memory_space<vmem>>, vector<1x1x16xf32>,
      %get3A_265 = vector.shape_cast %get3A_264 : vector<1x1x16xf32> to vector<16xf32>
      %add3A_266 = arith.addf %add3A_236, %get3A_265 : vector<16xf32>
      %get3A_267 = arith.constant 3 : i32
      %get3A_268 = arith.index_cast %get3A_267 : i32 to index
      %get3A_269 = arith.index_cast %scan3A_245 : i32 to index
      %get3A_270 = arith.constant 48 : index
      %get3A_271 = tpu.vector_load %arg6[%get3A_268, %get3A_269, %get3A_270] {strides = array<i32>} : memref<4x100x64xf32, #tpu.memory_space<vmem>>, vector<1x1x16xf32>,
      %get3A_272 = vector.shape_cast %get3A_271 : vector<1x1x16xf32> to vector<16xf32>
      %add3A_273 = arith.addf %add3A_243, %get3A_272 : vector<16xf32>
      %scan3A_274 = arith.constant 3 : i32
      %scan3A_275 = arith.addi %scan3A_182, %scan3A_274 : i32
      %get3A_276 = arith.constant 3 : i32
      %get3A_277 = arith.index_cast %get3A_276 : i32 to index
      %get3A_278 = arith.index_cast %scan3A_275 : i32 to index
      %get3A_279 = arith.constant 0 : index
      %get3A_280 = tpu.vector_load %arg6[%get3A_277, %get3A_278, %get3A_279] {strides = array<i32>} : memref<4x100x64xf32, #tpu.memory_space<vmem>>, vector<1x1x16xf32>,
      %get3A_281 = vector.shape_cast %get3A_280 : vector<1x1x16xf32> to vector<16xf32>
      %add3A_282 = arith.addf %add3A_252, %get3A_281 : vector<16xf32>
      %get3A_283 = arith.constant 3 : i32
      %get3A_284 = arith.index_cast %get3A_283 : i32 to index
      %get3A_285 = arith.index_cast %scan3A_275 : i32 to index
      %get3A_286 = arith.constant 16 : index
      %get3A_287 = tpu.vector_load %arg6[%get3A_284, %get3A_285, %get3A_286] {strides = array<i32>} : memref<4x100x64xf32, #tpu.memory_space<vmem>>, vector<1x1x16xf32>,
      %get3A_288 = vector.shape_cast %get3A_287 : vector<1x1x16xf32> to vector<16xf32>
      %add3A_289 = arith.addf %add3A_259, %get3A_288 : vector<16xf32>
      %get3A_290 = arith.constant 3 : i32
      %get3A_291 = arith.index_cast %get3A_290 : i32 to index
      %get3A_292 = arith.index_cast %scan3A_275 : i32 to index
      %get3A_293 = arith.constant 32 : index
      %get3A_294 = tpu.vector_load %arg6[%get3A_291, %get3A_292, %get3A_293] {strides = array<i32>} : memref<4x100x64xf32, #tpu.memory_space<vmem>>, vector<1x1x16xf32>,
      %get3A_295 = vector.shape_cast %get3A_294 : vector<1x1x16xf32> to vector<16xf32>
      %add3A_296 = arith.addf %add3A_266, %get3A_295 : vector<16xf32>
      %get3A_297 = arith.constant 3 : i32
      %get3A_298 = arith.index_cast %get3A_297 : i32 to index
      %get3A_299 = arith.index_cast %scan3A_275 : i32 to index
      %get3A_300 = arith.constant 48 : index
      %get3A_301 = tpu.vector_load %arg6[%get3A_298, %get3A_299, %get3A_300] {strides = array<i32>} : memref<4x100x64xf32, #tpu.memory_space<vmem>>, vector<1x1x16xf32>,
      %get3A_302 = vector.shape_cast %get3A_301 : vector<1x1x16xf32> to vector<16xf32>
      %add3A_303 = arith.addf %add3A_273, %get3A_302 : vector<16xf32>
      scf.yield %add3A_282, %add3A_289, %add3A_296, %add3A_303 : vector<16xf32>, vector<16xf32>, vector<16xf32>, vector<16xf32>
    }
    %scan3A_155 = arith.constant 100 : i32
    %swap3A_156 = arith.constant 127 : i32
    %swap3A_157 = arith.index_cast %swap3A_156 : i32 to index
    %swap3A_158 = arith.constant 0 : index
    %swap3A_159 = tpu.vector_load %arg7[%swap3A_157, %swap3A_158] {strides = array<i32>} : memref<128x64xf32, #tpu.memory_space<vmem>>, vector<1x16xf32>,
    %swap3A_160 = vector.shape_cast %swap3A_159 : vector<1x16xf32> to vector<16xf32>
    %swap3A_161 = vector.shape_cast %scan3A_154#0 : vector<16xf32> to vector<1x16xf32>
    tpu.vector_store %arg7[%swap3A_157, %swap3A_158], %swap3A_161 {strides = array<i32>} : memref<128x64xf32, #tpu.memory_space<vmem>>, vector<1x16xf32>,
    %swap3A_162 = arith.constant 127 : i32
    %swap3A_163 = arith.index_cast %swap3A_162 : i32 to index
    %swap3A_164 = arith.constant 16 : index
    %swap3A_165 = tpu.vector_load %arg7[%swap3A_163, %swap3A_164] {strides = array<i32>} : memref<128x64xf32, #tpu.memory_space<vmem>>, vector<1x16xf32>,
    %swap3A_166 = vector.shape_cast %swap3A_165 : vector<1x16xf32> to vector<16xf32>
    %swap3A_167 = vector.shape_cast %scan3A_154#1 : vector<16xf32> to vector<1x16xf32>
    tpu.vector_store %arg7[%swap3A_163, %swap3A_164], %swap3A_167 {strides = array<i32>} : memref<128x64xf32, #tpu.memory_space<vmem>>, vector<1x16xf32>,
    %swap3A_168 = arith.constant 127 : i32
    %swap3A_169 = arith.index_cast %swap3A_168 : i32 to index
    %swap3A_170 = arith.constant 32 : index
    %swap3A_171 = tpu.vector_load %arg7[%swap3A_169, %swap3A_170] {strides = array<i32>} : memref<128x64xf32, #tpu.memory_space<vmem>>, vector<1x16xf32>,
    %swap3A_172 = vector.shape_cast %swap3A_171 : vector<1x16xf32> to vector<16xf32>
    %swap3A_173 = vector.shape_cast %scan3A_154#2 : vector<16xf32> to vector<1x16xf32>
    tpu.vector_store %arg7[%swap3A_169, %swap3A_170], %swap3A_173 {strides = array<i32>} : memref<128x64xf32, #tpu.memory_space<vmem>>, vector<1x16xf32>,
    %swap3A_174 = arith.constant 127 : i32
    %swap3A_175 = arith.index_cast %swap3A_174 : i32 to index
    %swap3A_176 = arith.constant 48 : index
    %swap3A_177 = tpu.vector_load %arg7[%swap3A_175, %swap3A_176] {strides = array<i32>} : memref<128x64xf32, #tpu.memory_space<vmem>>, vector<1x16xf32>,
    %swap3A_178 = vector.shape_cast %swap3A_177 : vector<1x16xf32> to vector<16xf32>
    %swap3A_179 = vector.shape_cast %scan3A_154#3 : vector<16xf32> to vector<1x16xf32>
    tpu.vector_store %arg7[%swap3A_175, %swap3A_176], %swap3A_179 {strides = array<i32>} : memref<128x64xf32, #tpu.memory_space<vmem>>, vector<1x16xf32>,
    %mul3A_180 = arith.constant 128 : i32
    %mul3A_181 = arith.muli %add3A, %mul3A_180 : i32
    "tpu.region"() ({
      %run_scoped3A = tpu.sem_alloc : memref<!tpu.dma_semaphore, #tpu.memory_space<semaphore_mem>>
      %dma_start3A_182 = arith.constant 0 : i32
      %dma_start3A_183 = tpu.memref_slice %arg4[%mul3A_181, %dma_start3A_182] : memref<4096x64xf32, #tpu.memory_space<hbm>> -> memref<128x64xf32, #tpu.memory_space<hbm>>
      %dma_start3A_184 = arith.constant 0 : i32
      %dma_start3A_185 = tpu.memref_slice %arg4[%mul3A_181, %dma_start3A_184] : memref<4096x64xf32, #tpu.memory_space<hbm>> -> memref<128x64xf32, #tpu.memory_space<hbm>>
      tpu.enqueue_dma source(%arg7 : memref<128x64xf32, #tpu.memory_space<vmem>>) target(%dma_start3A_185 : memref<128x64xf32, #tpu.memory_space<hbm>>) target_semaphore(%run_scoped3A : memref<!tpu.dma_semaphore, #tpu.memory_space<semaphore_mem>>)
      %dma_wait3A_186 = arith.constant 0 : i32
      %dma_wait3A_187 = tpu.memref_slice %arg4[%mul3A_181, %dma_wait3A_186] : memref<4096x64xf32, #tpu.memory_space<hbm>> -> memref<128x64xf32, #tpu.memory_space<hbm>>
      %dma_wait3A_188 = arith.constant 0 : i32
      %dma_wait3A_189 = tpu.memref_slice %arg4[%mul3A_181, %dma_wait3A_188] : memref<4096x64xf32, #tpu.memory_space<hbm>> -> memref<128x64xf32, #tpu.memory_space<hbm>>
      tpu.wait_dma2 semaphore(%run_scoped3A : memref<!tpu.dma_semaphore, #tpu.memory_space<semaphore_mem>>) src(%arg7 : memref<128x64xf32, #tpu.memory_space<vmem>>) dst(%dma_wait3A_189 : memref<128x64xf32, #tpu.memory_space<hbm>>)
      tpu.yield
    }) : () -> ()
    return
  }
}

module attributes {stable_mosaic.version = 14 : i64} {
  func.func @_repack_body(%arg0: i32, %arg1: memref<64x12288xf32, #tpu.memory_space<vmem>>, %arg2: memref<64x12288xf32, #tpu.memory_space<vmem>>, %arg3: memref<12288x128xf32, #tpu.memory_space<vmem>>) attributes {dimension_semantics = [#tpu.dimension_semantics<arbitrary>], iteration_bounds = array<i64: 41>, scalar_prefetch = 0 : i64, scratch_operands = 0 : i64, tpu.core_type = #tpu.core_type<tc>, window_params = [{transform_indices = @transform_0, window_bounds = array<i64: 64, 12288>}, {transform_indices = @transform_1, window_bounds = array<i64: 64, 12288>}, {transform_indices = @transform_2, window_bounds = array<i64: 12288, 128>}]} {
    %get3A = arith.constant 0 : index
    %get3A_0 = arith.constant 0 : index
    %get3A_1 = vector.load %arg1[%get3A, %get3A_0] : memref<64x12288xf32, #tpu.memory_space<vmem>>, vector<64x12288xf32>
    %transpose3A = tpu.transpose %get3A_1, [1, 0] : vector<64x12288xf32> -> vector<12288x64xf32>
    %swap3A = arith.constant 0 : index
    %swap3A_2 = arith.constant 0 : index
    %swap3A_3 = vector.load %arg3[%swap3A, %swap3A_2] : memref<12288x128xf32, #tpu.memory_space<vmem>>, vector<12288x64xf32>
    tpu.vector_store %arg3[%swap3A, %swap3A_2], %transpose3A {strides = array<i32>} : memref<12288x128xf32, #tpu.memory_space<vmem>>, vector<12288x64xf32>,
    %get3A_4 = arith.constant 0 : index
    %get3A_5 = arith.constant 0 : index
    %get3A_6 = vector.load %arg2[%get3A_4, %get3A_5] : memref<64x12288xf32, #tpu.memory_space<vmem>>, vector<64x12288xf32>
    %transpose3A_7 = tpu.transpose %get3A_6, [1, 0] : vector<64x12288xf32> -> vector<12288x64xf32>
    %swap3A_8 = arith.constant 0 : index
    %swap3A_9 = arith.constant 64 : index
    %swap3A_10 = vector.load %arg3[%swap3A_8, %swap3A_9] : memref<12288x128xf32, #tpu.memory_space<vmem>>, vector<12288x64xf32>
    tpu.vector_store %arg3[%swap3A_8, %swap3A_9], %transpose3A_7 {strides = array<i32>} : memref<12288x128xf32, #tpu.memory_space<vmem>>, vector<12288x64xf32>,
    return
  }
  func.func @transform_0(%arg0: i32) -> (i32, i32) {
    %mul3A = arith.constant 2 : i32
    %mul3A_0 = arith.muli %mul3A, %arg0 : i32
    %min3A = arith.constant 81 : i32
    %min3A_1 = arith.minsi %mul3A_0, %min3A : i32
    %c0_i32 = arith.constant 0 : i32
    %c0_i32_2 = arith.constant 0 : i32
    return %c0_i32, %min3A_1 : i32, i32
  }
  func.func @transform_1(%arg0: i32) -> (i32, i32) {
    %mul3A = arith.constant 2 : i32
    %mul3A_0 = arith.muli %mul3A, %arg0 : i32
    %add3A = arith.constant 1 : i32
    %add3A_1 = arith.addi %mul3A_0, %add3A : i32
    %min3A = arith.constant 81 : i32
    %min3A_2 = arith.minsi %add3A_1, %min3A : i32
    %c0_i32 = arith.constant 0 : i32
    %c0_i32_3 = arith.constant 0 : i32
    return %c0_i32, %min3A_2 : i32, i32
  }
  func.func @transform_2(%arg0: i32) -> (i32, i32) {
    %c0_i32 = arith.constant 0 : i32
    %c0_i32_0 = arith.constant 0 : i32
    return %arg0, %c0_i32 : i32, i32
  }
}

module attributes {stable_mosaic.version = 14 : i64} {
  func.func @_tc_finish_body(%arg0: memref<4096x64xf32, #tpu.memory_space<vmem>>, %arg1: memref<64x64xf32, #tpu.memory_space<vmem>>, %arg2: memref<1x64xf32, #tpu.memory_space<vmem>>, %arg3: memref<1x64xf32, #tpu.memory_space<vmem>>, %arg4: memref<1x64xf32, #tpu.memory_space<vmem>>, %arg5: memref<1x64xf32, #tpu.memory_space<vmem>>, %arg6: memref<1x64xf32, #tpu.memory_space<vmem>>, %arg7: memref<4096x64xf32, #tpu.memory_space<vmem>>) attributes {dimension_semantics = [], scalar_prefetch = 0 : i64, scratch_operands = 0 : i64, tpu.core_type = #tpu.core_type<tc>} {
    %get3A = arith.constant 0 : index
    %get3A_0 = arith.constant 0 : index
    %get3A_1 = vector.load %arg0[%get3A, %get3A_0] : memref<4096x64xf32, #tpu.memory_space<vmem>>, vector<4096x64xf32>
    %mul3A = arith.constant 5.000000e-03 : f32
    %mul3A_2 = vector.broadcast %mul3A : f32 to vector<4096x64xf32>
    %mul3A_3 = arith.mulf %get3A_1, %mul3A_2 : vector<4096x64xf32>
    %get3A_4 = arith.constant 0 : index
    %get3A_5 = arith.constant 0 : index
    %get3A_6 = vector.load %arg1[%get3A_4, %get3A_5] : memref<64x64xf32, #tpu.memory_space<vmem>>, vector<64x64xf32>
    %dot_general3A = arith.constant dense<0.000000e+00> : vector<4096x64xf32>
    %dot_general3A_7 = tpu.matmul %mul3A_3, %get3A_6, %dot_general3A {dimension_numbers = #tpu.dot_dimension_numbers<[1], [0], [0], [1], [0, 0, 1, 1], [], []>, transpose_lhs_hint = false} : vector<4096x64xf32>, vector<64x64xf32>, vector<4096x64xf32> -> vector<4096x64xf32>
    %get3A_8 = arith.constant 0 : index
    %get3A_9 = arith.constant 0 : index
    %get3A_10 = vector.load %arg2[%get3A_8, %get3A_9] : memref<1x64xf32, #tpu.memory_space<vmem>>, vector<1x64xf32>
    %add3A = vector.broadcast %get3A_10 : vector<1x64xf32> to vector<4096x64xf32>
    %add3A_11 = arith.addf %dot_general3A_7, %add3A : vector<4096x64xf32>
    %reduce_sum3A = arith.constant dense<0.000000e+00> : vector<64xf32>
    %reduce_sum3A_12 = vector.multi_reduction <add>, %add3A_11, %reduce_sum3A [0] : vector<4096x64xf32> to vector<64xf32>
    %broadcast_in_dim3A = vector.shape_cast %reduce_sum3A_12 : vector<64xf32> to vector<1x64xf32>
    %div3A = arith.constant 4.096000e+03 : f32
    %div3A_13 = vector.broadcast %div3A : f32 to vector<1x64xf32>
    %div3A_14 = arith.divf %broadcast_in_dim3A, %div3A_13 : vector<1x64xf32>
    %sub3A = vector.broadcast %div3A_14 : vector<1x64xf32> to vector<4096x64xf32>
    %sub3A_15 = arith.subf %add3A_11, %sub3A : vector<4096x64xf32>
    %mul3A_16 = arith.mulf %sub3A_15, %sub3A_15 : vector<4096x64xf32>
    %reduce_sum3A_17 = arith.constant dense<0.000000e+00> : vector<64xf32>
    %reduce_sum3A_18 = vector.multi_reduction <add>, %mul3A_16, %reduce_sum3A_17 [0] : vector<4096x64xf32> to vector<64xf32>
    %broadcast_in_dim3A_19 = vector.shape_cast %reduce_sum3A_18 : vector<64xf32> to vector<1x64xf32>
    %div3A_20 = arith.constant 4.096000e+03 : f32
    %div3A_21 = vector.broadcast %div3A_20 : f32 to vector<1x64xf32>
    %div3A_22 = arith.divf %broadcast_in_dim3A_19, %div3A_21 : vector<1x64xf32>
    %add3A_23 = arith.constant 9.99999974E-6 : f32
    %add3A_24 = vector.broadcast %add3A_23 : f32 to vector<1x64xf32>
    %add3A_25 = arith.addf %div3A_22, %add3A_24 : vector<1x64xf32>
    %rsqrt3A = math.rsqrt %add3A_25 : vector<1x64xf32>
    %mul3A_26 = vector.broadcast %rsqrt3A : vector<1x64xf32> to vector<4096x64xf32>
    %mul3A_27 = arith.mulf %sub3A_15, %mul3A_26 : vector<4096x64xf32>
    %get3A_28 = arith.constant 0 : index
    %get3A_29 = arith.constant 0 : index
    %get3A_30 = vector.load %arg3[%get3A_28, %get3A_29] : memref<1x64xf32, #tpu.memory_space<vmem>>, vector<1x64xf32>
    %mul3A_31 = vector.broadcast %get3A_30 : vector<1x64xf32> to vector<4096x64xf32>
    %mul3A_32 = arith.mulf %mul3A_27, %mul3A_31 : vector<4096x64xf32>
    %get3A_33 = arith.constant 0 : index
    %get3A_34 = arith.constant 0 : index
    %get3A_35 = vector.load %arg4[%get3A_33, %get3A_34] : memref<1x64xf32, #tpu.memory_space<vmem>>, vector<1x64xf32>
    %add3A_36 = vector.broadcast %get3A_35 : vector<1x64xf32> to vector<4096x64xf32>
    %add3A_37 = arith.addf %mul3A_32, %add3A_36 : vector<4096x64xf32>
    %reduce_sum3A_38 = arith.constant dense<0.000000e+00> : vector<4096xf32>
    %reduce_sum3A_39 = vector.multi_reduction <add>, %add3A_37, %reduce_sum3A_38 [1] : vector<4096x64xf32> to vector<4096xf32>
    %broadcast_in_dim3A_40 = vector.shape_cast %reduce_sum3A_39 : vector<4096xf32> to vector<4096x1xf32>
    %div3A_41 = arith.constant 6.400000e+01 : f32
    %div3A_42 = vector.broadcast %div3A_41 : f32 to vector<4096x1xf32>
    %div3A_43 = arith.divf %broadcast_in_dim3A_40, %div3A_42 : vector<4096x1xf32>
    %sub3A_44 = vector.broadcast %div3A_43 : vector<4096x1xf32> to vector<4096x64xf32>
    %sub3A_45 = arith.subf %add3A_37, %sub3A_44 : vector<4096x64xf32>
    %mul3A_46 = arith.mulf %sub3A_45, %sub3A_45 : vector<4096x64xf32>
    %reduce_sum3A_47 = arith.constant dense<0.000000e+00> : vector<4096xf32>
    %reduce_sum3A_48 = vector.multi_reduction <add>, %mul3A_46, %reduce_sum3A_47 [1] : vector<4096x64xf32> to vector<4096xf32>
    %broadcast_in_dim3A_49 = vector.shape_cast %reduce_sum3A_48 : vector<4096xf32> to vector<4096x1xf32>
    %div3A_50 = arith.constant 6.400000e+01 : f32
    %div3A_51 = vector.broadcast %div3A_50 : f32 to vector<4096x1xf32>
    %div3A_52 = arith.divf %broadcast_in_dim3A_49, %div3A_51 : vector<4096x1xf32>
    %add3A_53 = arith.constant 9.99999974E-6 : f32
    %add3A_54 = vector.broadcast %add3A_53 : f32 to vector<4096x1xf32>
    %add3A_55 = arith.addf %div3A_52, %add3A_54 : vector<4096x1xf32>
    %rsqrt3A_56 = math.rsqrt %add3A_55 : vector<4096x1xf32>
    %mul3A_57 = vector.broadcast %rsqrt3A_56 : vector<4096x1xf32> to vector<4096x64xf32>
    %mul3A_58 = arith.mulf %sub3A_45, %mul3A_57 : vector<4096x64xf32>
    %get3A_59 = arith.constant 0 : index
    %get3A_60 = arith.constant 0 : index
    %get3A_61 = vector.load %arg5[%get3A_59, %get3A_60] : memref<1x64xf32, #tpu.memory_space<vmem>>, vector<1x64xf32>
    %mul3A_62 = vector.broadcast %get3A_61 : vector<1x64xf32> to vector<4096x64xf32>
    %mul3A_63 = arith.mulf %mul3A_58, %mul3A_62 : vector<4096x64xf32>
    %get3A_64 = arith.constant 0 : index
    %get3A_65 = arith.constant 0 : index
    %get3A_66 = vector.load %arg6[%get3A_64, %get3A_65] : memref<1x64xf32, #tpu.memory_space<vmem>>, vector<1x64xf32>
    %add3A_67 = vector.broadcast %get3A_66 : vector<1x64xf32> to vector<4096x64xf32>
    %add3A_68 = arith.addf %mul3A_63, %add3A_67 : vector<4096x64xf32>
    %swap3A = arith.constant 0 : index
    %swap3A_69 = arith.constant 0 : index
    %swap3A_70 = vector.load %arg7[%swap3A, %swap3A_69] : memref<4096x64xf32, #tpu.memory_space<vmem>>, vector<4096x64xf32>
    tpu.vector_store %arg7[%swap3A, %swap3A_69], %add3A_68 {strides = array<i32>} : memref<4096x64xf32, #tpu.memory_space<vmem>>, vector<4096x64xf32>,
    return
  }
}

</mosaic_0001>

<sc_bundles>
// kernel: kernel.5.cloned.1.call-start
scs
__scs_entry_jumppad:
0x0: {  	(pc) =	sbr.rel $0x88, $3  }
0x1: {  	(tag) =	ssettag $0x0;
	lr =	simm.s32 $0x1  }
0x2: {  	[smem:$0x3F99] =	sst lr;
	_ =	strace $0xD0000000  }
0x3: {  	_ = 	snop  }
0x4: {  	_ = 	snop  }
0x5: {  	_ = 	snop  }
0x6: {  	_ = 	snop  }
0x7: {  	_ = 	snop  }
__scs_overlays_trampoline_lowered:
0x8: {  	[smem:$0x3FA8] =	sst s0  }
0x9: {  	[smem:$0x3FA9] =	sst s1  }
0xa: {  	[smem:$0x3FAA] =	sst s2  }
0xb: {  	[smem:$0x3FAB] =	sst s3  }
0xc: {  	[smem:$0x3FAC] =	sst s4  }
0xd: {  	[smem:$0x3FAD] =	sst s5  }
0xe: {  	[smem:$0x3FAE] =	sst s6  }
0xf: {  	[smem:$0x3FAF] =	sst s7  }
0x10: {  	[smem:$0x3FB0] =	sst s8  }
0x11: {  	[smem:$0x3FB1] =	sst s9;
	s0 =	simm.s32 @!p0 $0x0  }
0x12: {  	s1 =	sld [smem:$0x3F97];
	s0 =	simm.s32 @p0 $0x1  }
0x13: {  	[smem:$0x3FB2] =	sst s0;
	s0 =	simm.s32 @!p1 $0x0  }
0x14: {  	s2 =	sld [smem:$0x3F96];
	s0 =	simm.s32 @p1 $0x1  }
0x15: {  	[smem:$0x3FB3] =	sst s0;
	s0 =	simm.s32 @!p2 $0x0  }
0x16: {  	s3 =	sld [smem:$0x3FDB];
	s0 =	simm.s32 @p2 $0x1  }
0x17: {  	s4 =	simm.s32 $0x1BF5;
	[smem:$0x3FB5] =	sst s0  }
0x18: {  	s0 =	sld [smem:$0x3F98];
	_ =	swait.ge [sflag:s4], $0x0  }
0x19: {  	s7 =	sld [smem:$0x3F99]  }
0x1a: {  	s8 =	sadd.s32 $0xFFFFE003, lr  }
0x1b: {  	s9 =	sadd.s32 $0xFFFFFEF7, lr;
	s5 =	simm.s32 $0xFFFFFFFF;
	p2 =	slt.u32 s8, $0xFFFFF086  }
0x1c: {  	p1 =	slt.u32 s9, $0xF7A;
	s5 =	simm.s32 @!p2 $0x0  }
0x1d: {  	s5 =	simm.s32 @p1 $0x1;
	p0 =	seq.s32 s7, s2  }
0x1e: {  	s7 =	smul.u32 @!p0 $0xF7A, s2;
	p2 =	seq.s32 @!p0 s5, $0x0  }
0x1f: {  	s9 =	smul.u32 $0xF7A, s1;
	s8 =	simm.s32 @!p0 $0x1BF5;
	p2 =	por !p2, p0  }
0x20: {  	[sflag:s8] =	ssyncset.s32 @!p0 $0xFFFFF086;
	s6 =	sadd.s32 @!p0 s3, s7;
	s7 =	simm.s32 @!p0 $0x108  }
0x21: {  	s3 =	sadd.s32 s3, s9;
	s6 =	sadd.s32 @!p0 $0x88, s6;
	s7 =	simm.s32 @p2 $0x1082  }
0x22: {  	[simem:s7], [sflag:s8] =	dma.local @!p0 [hbm:s6], $0xF7A  }
0x23: {  	s9 =	sor.u32 $0xD0000000, s2;
	s6 =	simm.s32 $0x108;
	_ =	swait.ge @!p0 [sflag:s8], $0x0  }
0x24: {  	s3 =	sadd.s32 $0x88, s3;
	s6 =	simm.s32 @!p1 $0x1082;
	[sflag:s4] =	ssyncset.s32 $0xFFFFF086  }
0x25: {  	[simem:s6], [sflag:s4] =	dma.local [hbm:s3], $0xF7A  }
0x26: {  	[smem:$0x3F99] =	sst s1;
	(tag) =	ssettag s2;
	_ =	strace s9  }
0x27: {  	s1 =	sld [smem:$0x3FA9]  }
0x28: {  	s2 =	sld [smem:$0x3FAA]  }
0x29: {  	s4 =	sld [smem:$0x3FAC]  }
0x2a: {  	p0 =	seq.s32 s5, $0x0;
	s5 =	sld [smem:$0x3FAD]  }
0x2b: {  	s6 =	sld [smem:$0x3FAE]  }
0x2c: {  	s7 =	sld [smem:$0x3FAF]  }
0x2d: {  	s3 =	simm.s32 $0x108;
	s8 =	sld [smem:$0x3FB0]  }
0x2e: {  	s3 =	simm.s32 @!p0 $0x1082;
	s9 =	sld [smem:$0x3FB1]  }
0x2f: {  	lr =	sadd.s32 s0, s3;
	s0 =	sld [smem:$0x3FA8]  }
0x30: {  	s3 =	sld [smem:$0x3FAB]  }
0x31: {  	[smem:$0x3FB4] =	sst s10  }
0x32: {  	s10 =	sld [smem:$0x3FB2];
	_ =	sdelay $0x3  }
0x33: {  	p0 =	seq.s32 s10, $0x1;
	s10 =	sld [smem:$0x3FB4];
	_ =	sdelay $0x3  }
0x34: {  	[smem:$0x3FB4] =	sst s10  }
0x35: {  	s10 =	sld [smem:$0x3FB3];
	_ =	sdelay $0x3  }
0x36: {  	p1 =	seq.s32 s10, $0x1;
	s10 =	sld [smem:$0x3FB4];
	_ =	sdelay $0x3  }
0x37: {  	[smem:$0x3FB4] =	sst s10  }
0x38: {  	s10 =	sld [smem:$0x3FB5]  }
0x39: {  	_ = 	snop;
	(pc) =	sbr.ind lr, $3  }
0x3a: {  	_ = 	snop  }
0x3b: {  	_ = 	snop  }
0x3c: {  	p2 =	seq.s32 s10, $0x1;
	s10 =	sld [smem:$0x3FB4]  }
0x3d: {  	_ =	shalt  }
0x3e: {  	_ =	shalt  }
0x3f: {  	_ =	shalt  }
0x40: {  	_ =	shalt  }
0x41: {  	_ =	shalt  }
0x42: {  	_ =	shalt  }
0x43: {  	_ =	shalt  }
0x44: {  	_ =	shalt  }
0x45: {  	_ =	shalt  }
0x46: {  	_ =	shalt  }
0x47: {  	_ =	shalt  }
0x48: {  	_ =	shalt  }
0x49: {  	_ =	shalt  }
0x4a: {  	_ =	shalt  }
0x4b: {  	_ =	shalt  }
0x4c: {  	_ =	shalt  }
0x4d: {  	_ =	shalt  }
0x4e: {  	_ =	shalt  }
0x4f: {  	_ =	shalt  }
0x50: {  	_ =	shalt  }
0x51: {  	_ =	shalt  }
0x52: {  	_ =	shalt  }
0x53: {  	_ =	shalt  }
0x54: {  	_ =	shalt  }
0x55: {  	_ =	shalt  }
0x56: {  	_ =	shalt  }
0x57: {  	_ =	shalt  }
0x58: {  	_ =	shalt  }
0x59: {  	_ =	shalt  }
0x5a: {  	_ =	shalt  }
0x5b: {  	_ =	shalt  }
0x5c: {  	_ =	shalt  }
0x5d: {  	_ =	shalt  }
0x5e: {  	_ =	shalt  }
0x5f: {  	_ =	shalt  }
0x60: {  	_ =	shalt  }
0x61: {  	_ =	shalt  }
0x62: {  	_ =	shalt  }
0x63: {  	_ =	shalt  }
0x64: {  	_ =	shalt  }
0x65: {  	_ =	shalt  }
0x66: {  	_ =	shalt  }
0x67: {  	_ =	shalt  }
0x68: {  	_ =	shalt  }
0x69: {  	_ =	shalt  }
0x6a: {  	_ =	shalt  }
0x6b: {  	_ =	shalt  }
0x6c: {  	_ =	shalt  }
0x6d: {  	_ =	shalt  }
0x6e: {  	_ =	shalt  }
0x6f: {  	_ =	shalt  }
0x70: {  	_ =	shalt  }
0x71: {  	_ =	shalt  }
0x72: {  	_ =	shalt  }
0x73: {  	_ =	shalt  }
0x74: {  	_ =	shalt  }
0x75: {  	_ =	shalt  }
0x76: {  	_ =	shalt  }
0x77: {  	_ =	shalt  }
0x78: {  	_ =	shalt  }
0x79: {  	_ =	shalt  }
0x7a: {  	_ =	shalt  }
0x7b: {  	_ =	shalt  }
0x7c: {  	_ =	shalt  }
0x7d: {  	_ =	shalt  }
0x7e: {  	_ =	shalt  }
0x7f: {  	_ =	shalt  }
0x80: {  	_ =	shalt  }
0x81: {  	_ =	shalt  }
0x82: {  	_ =	shalt  }
0x83: {  	_ =	shalt  }
0x84: {  	_ =	shalt  }
0x85: {  	_ =	shalt  }
0x86: {  	_ =	shalt  }
0x87: {  	_ =	shalt  }
.Lfunc_end0:
.L_simem_size_0:
called_computation_lowered:
.L_overlay_start_0:
0x88: {  	s2 =	sld [smem:$0x3FD9]  }
0x89: {  	s3 =	sld [smem:$0x3FFE];
	_ =	sdelay $0x1  }
0x8a: {  	s1 =	srdreg.scid  }
0x8b: {  	s0 =	sand.u32 $0x1, s1  }
0x8c: {  	s17 =	sshll.u32 s0, $0xA;
	s2 =	sadd.s32 s3, s2  }
0x8d: {  	s2 =	sadd.s32 s2, s17  }
0x8e: {  	[smem:$0x3FC0] =	sst s2  }
0x8f: {  	_ = 	snop  }
0x90: {  	s2 =	sld [smem:$0x3FD0];
	(tm) =	ssettm $0x1  }
0x91: {  	s18 =	sld [smem:$0x3FFB];
	_ =	sdelay $0x3  }
0x92: {  	_ =	strace s18  }
0x93: {  	s3 =	sld [smem:$0x3FFC];
	_ =	sdelay $0x3  }
0x94: {  	_ =	strace s3  }
0x95: {  	s3 =	sld [smem:$0x3FFD];
	_ =	sdelay $0x3  }
0x96: {  	_ =	strace s3  }
0x97: {  	_ =	strace $0x8FFFFFFF  }
0x98: {  	s19 =	sld [smem:$0x3FDB];
	_ =	sdelay $0x1  }
0x99: {  	s4 =	simm.s32 $_scs_section_size  }
0x9a: {  	s5 =	simm.s32 $_size__tile_overlayer_lowered;
	s6 =	simm.s32 $_tile_overlayer_lowered  }
0x9b: {  	s22 =	simm.s32 $0x1BFF;
	s21 =	sshll.u32 s6, $0x1;
	s3 =	sadd.s32 s4, s19  }
0x9c: {  	s7 =	simm.s32 $0x0;
	s20 =	sshll.u32 s5, $0x1;
	s5 =	sadd.s32 s21, s3  }
0x9d: {  	[timem:s7], [sflag:s22] =	dma.local [hbm:s5], s20  }
0x9e: {  	_ =	swait.ge [sflag:s22], s20  }
0x9f: {  	s4 =	ssub.s32 $0x0, s20;
	[sflag:s22] =	ssyncset.done $0x0  }
0xa0: {  	[sflag:s22] =	ssyncadd.s32 s4;
	_ =	sdelay $0x1  }
0xa1: {  	s23 =	simm.s32 $0x1B8B  }
0xa2: {  	_ =	swait.ge [sflag:s23], $0x1  }
0xa3: {  	[sflag:s23] =	ssyncset.done $0x0  }
0xa4: {  	s25 =	simm.s32 $0x1B8E;
	s24 =	sld [smem:$0x3FFE];
	[sflag:s23] =	ssyncadd.s32 $0xFFFFFFFF  }
0xa5: {  	s26 =	simm.s32 $execute0_lowered;
	[smem:$0x3FD2] =	sst s25  }
0xa6: {  	s5 =	sshll.u32 s26, $0x1;
	_ =	strace $0x80000046;
	[dreg:$0x1] =	wrdreg $0xFFFFFFFF  }
0xa7: {  	s28 =	simm.s32 $_size_execute0_lowered;
	s3 =	sadd.s32 s3, s5;
	[dreg:$0x0] =	wrdreg $0x0  }
0xa8: {  	s5 =	sshll.u32 s28, $0x1;
	[dreg:$0x2] =	wrdreg s3  }
0xa9: {  	[dreg:$0x3] =	wrdreg s5  }
0xaa: {  	[dreg:$0x4] =	wrdreg $0xC0  }
0xab: {  	_ =	task [dreg:s7], $0x5FFFF  }
0xac: {  	[dreg:$0x1] =	wrdreg $0xFFFFFFFF  }
0xad: {  	[dreg:$0x0] =	wrdreg $0x60  }
0xae: {  	[dreg:$0x2] =	wrdreg s24  }
0xaf: {  	[dreg:$0x3] =	wrdreg s2  }
0xb0: {  	[dreg:$0x4] =	wrdreg $0x9  }
0xb1: {  	_ =	task.clear_ibuf [dreg:s7], $0x5FFFF;
	_ =	strace $0x90000046  }
0xb2: {  	s29 =	simm.s32 $0x9;
	_ =	strace $0x80000048  }
0xb3: {  	_ =	swait.ge [sflag:s29], $0x1  }
0xb4: {  	[sflag:s29] =	ssyncadd.s32 $0xFFFFFFFF  }
0xb5: {  	_ =	strace $0x90000048  }
0xb6: {  	_ =	sfence  }
0xb7: {  	s30 =	sld [smem:$0x0];
	_ =	sdelay $0x2  }
0xb8: {  	s31 =	sshll.u32 s1, $0xD;
	s1 =	sshrl.u32 s1, $0x2  }
0xb9: {  	s3 =	sand.u32 $0x4000, s31;
	s1 =	sadd.s32 s1, s30  }
0xba: {  	s0 =	sor.u32 s3, s0;
	s1 =	sshll.u32 s1, $0x11  }
0xbb: {  	s0 =	sor.u32 s1, s0  }
0xbc: {  	s0 =	sadd.s32 $0x8F2B, s0  }
0xbd: {  	[sflag:s0] =	ssyncadd.remote.s32 $0x1  }
0xbe: {  	_ =	sfence.sel $0xFFFF  }
0xbf: {  	[dreg:$0x0] =	wrdreg $0xFFFFFFFF;
	(pc) =	sbr.abs _section_cstart, $3  }
0xc0: {  	[dreg:$0x1] =	wrdreg $0xFFFFFFFF  }
0xc1: {  	_ =	task.clear_ibuf [dreg:s7], $0x2FFFF;
	_ =	strace $0x9FFFFFFF  }
0xc2: {  	(tm) =	ssettm $0x7FFFFFFF  }
0xc3: {  	_ =	shalt  }
tec
execute0_lowered:
.L_overlay_start_1:
0x0: {  	(tag) =	ssettag $0x1  }
0x1: {  	s1 =	srdreg.scid  }
0x2: {  	s0 =	stileid.u32;
	s3 =	rddreg [dreg:$0x0]  }
0x3: {  	s5 =	rddreg [dreg:$0x1];
	s2 =	simm.s32 $0x0;
	s9 =	simm.s32 $0x6800  }
0x4: {  	s10 =	simm.s32 $0x68;
	s11 =	simm.s32 $0x8100;
	s12 =	simm.s32 $0xD0  }
0x5: {  	s13 =	simm.s32 $0x9A00;
	s14 =	simm.s32 $0x138;
	s15 =	simm.s32 $0xB300  }
0x6: {  	s16 =	simm.s32 $0x1;
	s17 =	simm.s32 $0x2;
	s18 =	simm.s32 $0x3  }
0x7: {  	s19 =	simm.s32 $0x4;
	s20 =	simm.s32 $0xCC00;
	s21 =	simm.s32 $0x0  }
0x8: {  	s4 =	sand.u32 $0x1, s1;
	s31 =	sshll.u32 s0, $0x1;
	s1 =	rddreg [dreg:$0x2]  }
0x9: {  	[smem:$0x7FF] =	sst s2;
	s6 =	sor.u32 s4, s31;
	s4 =	ssub.s32 $0x2, s4  }
0xa: {  	s7 =	smul.u32 $0xD00, s6;
	s8 =	sshrl.u32 s4, $0x1;
	s6 =	sshll.u32 s6, $0xA  }
0xb: {  	_ =	strace $0x80000047;
	s8 =	ssub.s32 s4, s8;
	s5 =	sadd.s32 s5, s6  }
0xc: {  	s7 =	sadd.s32 s7, s3;
	s3 =	sadd.s32 $0x1B000, s3;
	s6 =	smax.u32 s8, $0x1  }
0xd: {  	s8 =	simm.s32 $0x64;
	s4 =	sadd.s32 $0x1000, s7;
	s7 =	simm.s32 $0x5  }
.LBB2_1:
0xe: {  	[tilespmem:s2], [sflag:$0x5] =	stream.linear.gather [hbm4b:s4+s2], $0x6800, $0x38;
	[tilespmem:$0xEC00] =	vst v63  }
0xf: {  	_ =	swait.ge [sflag:s7], $0x6800  }
0x10: {  	[sflag:s7] =	ssyncset.done $0x0  }
0x11: {  	[sflag:s7] =	ssyncadd.s32 $0xFFFF9800  }
0x12: {  	[tilespmem:s9], [sflag:$0x1] =	stream.indirect.gather [hbm4b:s3+s8], $0x40, s2, s8, $0xb8;
	[tilespmem:$0xEC00] =	vst v63  }
0x13: {  	_ = 	snop  }
0x14: {  	[tilespmem:s11], [sflag:$0x2] =	stream.indirect.gather [hbm4b:s3+s8], $0x40, s10, s8, $0xb8;
	[tilespmem:$0xEC00] =	vst v63  }
0x15: {  	_ = 	snop  }
0x16: {  	[tilespmem:s13], [sflag:$0x3] =	stream.indirect.gather [hbm4b:s3+s8], $0x40, s12, s8, $0xb8;
	[tilespmem:$0xEC00] =	vst v63  }
0x17: {  	s22 =	simm.s32 $0x0  }
0x18: {  	[tilespmem:s15], [sflag:$0x4] =	stream.indirect.gather [hbm4b:s3+s8], $0x40, s14, s8, $0xb8;
	[tilespmem:$0xEC00] =	vst v63  }
.LBB2_2:
0x19: {  	_ =	swait.ge [sflag:s16], $0x1900  }
0x1a: {  	[sflag:s16] =	ssyncset.done $0x0  }
0x1b: {  	s24 =	simm.s32 $0x6880;
	[sflag:s16] =	ssyncadd.s32 $0xFFFFE700  }
0x1c: {  	v0 =	vld [tilespmem:s24+$0x40]  }
0x1d: {  	v1 =	vld [tilespmem:s24+$0x50]  }
0x1e: {  	v2 =	vld [tilespmem:s24+$0x0]  }
0x1f: {  	v3 =	vld [tilespmem:s24+$0x10]  }
0x20: {  	v4 =	vld [tilespmem:s24+$0xFFFFFFC0]  }
0x21: {  	v5 =	vld [tilespmem:s24+$0xFFFFFFD0]  }
0x22: {  	v6 =	vld [tilespmem:s24+$0xFFFFFF80]  }
0x23: {  	v7 =	vld [tilespmem:s24+$0xFFFFFF90]  }
0x24: {  	v9 =	vld [tilespmem:s24+$0xFFFFFFA0]  }
0x25: {  	v12 =	vld [tilespmem:s24+$0xFFFFFFB0]  }
0x26: {  	v11 =	vld [tilespmem:s24+$0xFFFFFFE0]  }
0x27: {  	v13 =	vld [tilespmem:s24+$0xFFFFFFF0]  }
0x28: {  	v15 =	vimm.f32 $0.0e+00;
	v8 =	vld [tilespmem:s24+$0x20]  }
0x29: {  	v10 =	vld [tilespmem:s24+$0x30];
	v6 =	vadd.f32 v6, v15;
	v7 =	vadd.f32 v7, v15  }
0x2a: {  	v14 =	vadd.f32 v9, v15;
	v15 =	vadd.f32 v12, v15;
	v9 =	vld [tilespmem:s24+$0x60]  }
0x2b: {  	s23 =	simm.s32 $0x0;
	v12 =	vld [tilespmem:s24+$0x70];
	s24 =	simm.s32 $0x6980;
	v16 =	vadd.f32 v4, v6;
	v17 =	vadd.f32 v5, v7  }
.LBB2_3:
0x2c: {  	v4 =	vld [tilespmem:s24+$0x40];
	v5 =	vadd.f32 v11, v14;
	v6 =	vadd.f32 v13, v15  }
0x2d: {  	v7 =	vld [tilespmem:s24+$0x50];
	v11 =	vadd.f32 v2, v16;
	v13 =	vadd.f32 v3, v17  }
0x2e: {  	v2 =	vld [tilespmem:s24+$0x0];
	v5 =	vadd.f32 v8, v5;
	v6 =	vadd.f32 v10, v6  }
0x2f: {  	v3 =	vld [tilespmem:s24+$0x10];
	v10 =	vadd.f32 v0, v11;
	v14 =	vadd.f32 v1, v13  }
0x30: {  	v16 =	vld [tilespmem:s24+$0xFFFFFFC0];
	v5 =	vadd.f32 v9, v5;
	v6 =	vadd.f32 v12, v6  }
0x31: {  	v12 =	vld [tilespmem:s24+$0xFFFFFFD0];
	v0 =	vmov v4  }
0x32: {  	v4 =	vld [tilespmem:s24+$0xFFFFFF80];
	v1 =	vmov v7  }
0x33: {  	v7 =	vld [tilespmem:s24+$0xFFFFFF90]  }
0x34: {  	v9 =	vld [tilespmem:s24+$0xFFFFFFA0]  }
0x35: {  	s23 =	sadd.s32 $0x4, s23;
	v15 =	vld [tilespmem:s24+$0xFFFFFFB0]  }
0x36: {  	p0 =	slt.u32 s23, $0x60;
	v11 =	vld [tilespmem:s24+$0xFFFFFFE0]  }
.Ltmp0:
0x37: {  	v13 =	vld [tilespmem:s24+$0xFFFFFFF0];
	(pc) =	sbr.rel @p0 .LBB2_3-.Ltmp0, $4  }
0x38: {  	v8 =	vld [tilespmem:s24+$0x20]  }
0x39: {  	v4 =	vadd.f32 v4, v10;
	v7 =	vadd.f32 v7, v14;
	v10 =	vld [tilespmem:s24+$0x30]  }
0x3a: {  	v14 =	vadd.f32 v9, v5;
	v15 =	vadd.f32 v15, v6;
	v9 =	vld [tilespmem:s24+$0x60]  }
0x3b: {  	v16 =	vadd.f32 v16, v4;
	v17 =	vadd.f32 v12, v7;
	v12 =	vld [tilespmem:s24+$0x70];
	s24 =	sadd.s32 $0x100, s24  }
0x3c: {  	s23 =	smul.u32 $0x680, s22;
	_ =	sdelay $0x1  }
0x3d: {  	s23 =	sshra.s32 s23, $0x2  }
0x3e: {  	s24 =	sadd.s32 $0x1A0, s23  }
0x3f: {  	[tilespmem:s9], [sflag:$0x1] =	stream.indirect.gather [hbm4b:s3+s8], $0x40, s24, s8, $0xb8;
	[tilespmem:$0xEC00] =	vst v63  }
0x40: {  	_ =	swait.ge [sflag:s17], $0x1900  }
0x41: {  	[sflag:s17] =	ssyncset.done $0x0  }
0x42: {  	s25 =	simm.s32 $0x81F0;
	[sflag:s17] =	ssyncadd.s32 $0xFFFFE700  }
0x43: {  	v4 =	vld [tilespmem:s25+$0xFFFFFFD0]  }
0x44: {  	v5 =	vld [tilespmem:s25+$0xFFFFFFE0]  }
0x45: {  	v6 =	vld [tilespmem:s25+$0xFFFFFF90]  }
0x46: {  	v7 =	vld [tilespmem:s25+$0xFFFFFFA0]  }
0x47: {  	v18 =	vld [tilespmem:s25+$0xFFFFFF50]  }
0x48: {  	v19 =	vld [tilespmem:s25+$0xFFFFFF60]  }
0x49: {  	v20 =	vld [tilespmem:s25+$0xFFFFFF10]  }
0x4a: {  	v21 =	vld [tilespmem:s25+$0xFFFFFF20]  }
0x4b: {  	v11 =	vadd.f32 v11, v14;
	v13 =	vadd.f32 v13, v15;
	v14 =	vld [tilespmem:s25+$0xFFFFFF30]  }
0x4c: {  	v15 =	vadd.f32 v2, v16;
	v3 =	vadd.f32 v3, v17;
	v63 =	vld [tilespmem:s25+$0xFFFFFF40]  }
0x4d: {  	v11 =	vadd.f32 v8, v11;
	v10 =	vadd.f32 v10, v13;
	v2 =	vld [tilespmem:s25+$0xFFFFFF70]  }
0x4e: {  	v13 =	vadd.f32 v0, v15;
	v1 =	vadd.f32 v1, v3;
	v8 =	vld [tilespmem:s25+$0xFFFFFF80]  }
0x4f: {  	v9 =	vadd.f32 v9, v11;
	v10 =	vadd.f32 v12, v10;
	v0 =	vld [tilespmem:s25+$0xFFFFFFB0]  }
0x50: {  	v3 =	vld [tilespmem:s25+$0xFFFFFFC0];
	v12 =	vadd.f32 v20, v13;
	v15 =	vadd.f32 v21, v1  }
0x51: {  	v11 =	vadd.f32 v14, v9;
	v10 =	vadd.f32 v63, v10;
	v1 =	vld [tilespmem:s25+$0xFFFFFFF0]  }
0x52: {  	s24 =	simm.s32 $0x0;
	v9 =	vld [tilespmem:s25+$0x0];
	s25 =	simm.s32 $0x82F0;
	v13 =	vadd.f32 v18, v12;
	v12 =	vadd.f32 v19, v15  }
.LBB2_5:
0x53: {  	v14 =	vld [tilespmem:s25+$0xFFFFFFD0];
	v2 =	vadd.f32 v2, v11;
	v8 =	vadd.f32 v8, v10  }
0x54: {  	v10 =	vld [tilespmem:s25+$0xFFFFFFE0];
	v11 =	vadd.f32 v6, v13;
	v12 =	vadd.f32 v7, v12  }
0x55: {  	v6 =	vld [tilespmem:s25+$0xFFFFFF90];
	v0 =	vadd.f32 v0, v2;
	v2 =	vadd.f32 v3, v8  }
0x56: {  	v7 =	vld [tilespmem:s25+$0xFFFFFFA0];
	v3 =	vadd.f32 v4, v11;
	v11 =	vadd.f32 v5, v12  }
0x57: {  	v12 =	vld [tilespmem:s25+$0xFFFFFF50];
	v1 =	vadd.f32 v1, v0;
	v9 =	vadd.f32 v9, v2  }
0x58: {  	v15 =	vld [tilespmem:s25+$0xFFFFFF60];
	v4 =	vmov v14  }
0x59: {  	v13 =	vld [tilespmem:s25+$0xFFFFFF10];
	v5 =	vmov v10  }
0x5a: {  	v10 =	vld [tilespmem:s25+$0xFFFFFF20]  }
0x5b: {  	v14 =	vld [tilespmem:s25+$0xFFFFFF30]  }
0x5c: {  	s24 =	sadd.s32 $0x4, s24;
	v16 =	vld [tilespmem:s25+$0xFFFFFF40]  }
0x5d: {  	p0 =	slt.u32 s24, $0x60;
	v2 =	vld [tilespmem:s25+$0xFFFFFF70]  }
.Ltmp1:
0x5e: {  	v8 =	vld [tilespmem:s25+$0xFFFFFF80];
	(pc) =	sbr.rel @p0 .LBB2_5-.Ltmp1, $4  }
0x5f: {  	v0 =	vld [tilespmem:s25+$0xFFFFFFB0]  }
0x60: {  	v13 =	vadd.f32 v13, v3;
	v17 =	vadd.f32 v10, v11;
	v3 =	vld [tilespmem:s25+$0xFFFFFFC0]  }
0x61: {  	v11 =	vadd.f32 v14, v1;
	v10 =	vadd.f32 v16, v9;
	v1 =	vld [tilespmem:s25+$0xFFFFFFF0]  }
0x62: {  	v13 =	vadd.f32 v12, v13;
	v12 =	vadd.f32 v15, v17;
	v9 =	vld [tilespmem:s25+$0x0];
	s25 =	sadd.s32 $0x100, s25  }
0x63: {  	_ = 	snop  }
0x64: {  	v2 =	vadd.f32 v2, v11;
	v6 =	vadd.f32 v6, v13  }
0x65: {  	s24 =	sadd.s32 $0x208, s23;
	v8 =	vadd.f32 v8, v10;
	s31 =	sshll.u32 s22, $0x7;
	v7 =	vadd.f32 v7, v12  }
0x66: {  	[tilespmem:s11], [sflag:$0x2] =	stream.indirect.gather [hbm4b:s3+s8], $0x40, s24, s8, $0xb8;
	v0 =	vadd.f32 v0, v2;
	v2 =	vadd.f32 v4, v6;
	[tilespmem:$0xEC00] =	vst v63  }
0x67: {  	s24 =	sand.u32 $0x3FFFFF80, s31;
	v3 =	vadd.f32 v3, v8;
	v4 =	vadd.f32 v5, v7  }
0x68: {  	v0 =	vadd.f32 v1, v0;
	[tilespmem:s24+$0xCC00] =	vst v2  }
0x69: {  	v1 =	vadd.f32 v9, v3;
	[tilespmem:s24+$0xCC10] =	vst v4  }
0x6a: {  	[tilespmem:s24+$0xCC20] =	vst v0  }
0x6b: {  	[tilespmem:s24+$0xCC30] =	vst v1  }
0x6c: {  	_ =	swait.ge [sflag:s18], $0x1900  }
0x6d: {  	[sflag:s18] =	ssyncset.done $0x0  }
0x6e: {  	s26 =	simm.s32 $0x9AF0;
	[sflag:s18] =	ssyncadd.s32 $0xFFFFE700  }
0x6f: {  	v0 =	vld [tilespmem:s26+$0xFFFFFFD0]  }
0x70: {  	v1 =	vld [tilespmem:s26+$0xFFFFFFE0]  }
0x71: {  	v2 =	vld [tilespmem:s26+$0xFFFFFF90]  }
0x72: {  	v3 =	vld [tilespmem:s26+$0xFFFFFFA0]  }
0x73: {  	v4 =	vld [tilespmem:s26+$0xFFFFFF50]  }
0x74: {  	v5 =	vld [tilespmem:s26+$0xFFFFFF60]  }
0x75: {  	v6 =	vld [tilespmem:s26+$0xFFFFFF10]  }
0x76: {  	v7 =	vld [tilespmem:s26+$0xFFFFFF20]  }
0x77: {  	v9 =	vld [tilespmem:s26+$0xFFFFFF30]  }
0x78: {  	v12 =	vld [tilespmem:s26+$0xFFFFFF40]  }
0x79: {  	v11 =	vld [tilespmem:s26+$0xFFFFFF70]  }
0x7a: {  	v13 =	vld [tilespmem:s26+$0xFFFFFF80]  }
0x7b: {  	v15 =	vimm.f32 $0.0e+00;
	v8 =	vld [tilespmem:s26+$0xFFFFFFB0]  }
0x7c: {  	v10 =	vld [tilespmem:s26+$0xFFFFFFC0];
	v6 =	vadd.f32 v6, v15;
	v7 =	vadd.f32 v7, v15  }
0x7d: {  	v14 =	vadd.f32 v9, v15;
	v15 =	vadd.f32 v12, v15;
	v9 =	vld [tilespmem:s26+$0xFFFFFFF0]  }
0x7e: {  	s25 =	simm.s32 $0x0;
	v12 =	vld [tilespmem:s26+$0x0];
	s26 =	simm.s32 $0x9BF0;
	v16 =	vadd.f32 v4, v6;
	v17 =	vadd.f32 v5, v7  }
.LBB2_7:
0x7f: {  	v4 =	vld [tilespmem:s26+$0xFFFFFFD0];
	v5 =	vadd.f32 v11, v14;
	v6 =	vadd.f32 v13, v15  }
0x80: {  	v7 =	vld [tilespmem:s26+$0xFFFFFFE0];
	v11 =	vadd.f32 v2, v16;
	v13 =	vadd.f32 v3, v17  }
0x81: {  	v2 =	vld [tilespmem:s26+$0xFFFFFF90];
	v5 =	vadd.f32 v8, v5;
	v6 =	vadd.f32 v10, v6  }
0x82: {  	v3 =	vld [tilespmem:s26+$0xFFFFFFA0];
	v10 =	vadd.f32 v0, v11;
	v14 =	vadd.f32 v1, v13  }
0x83: {  	v16 =	vld [tilespmem:s26+$0xFFFFFF50];
	v5 =	vadd.f32 v9, v5;
	v6 =	vadd.f32 v12, v6  }
0x84: {  	v12 =	vld [tilespmem:s26+$0xFFFFFF60];
	v0 =	vmov v4  }
0x85: {  	v4 =	vld [tilespmem:s26+$0xFFFFFF10];
	v1 =	vmov v7  }
0x86: {  	v7 =	vld [tilespmem:s26+$0xFFFFFF20]  }
0x87: {  	v9 =	vld [tilespmem:s26+$0xFFFFFF30]  }
0x88: {  	s25 =	sadd.s32 $0x4, s25;
	v15 =	vld [tilespmem:s26+$0xFFFFFF40]  }
0x89: {  	p0 =	slt.u32 s25, $0x60;
	v11 =	vld [tilespmem:s26+$0xFFFFFF70]  }
.Ltmp2:
0x8a: {  	v13 =	vld [tilespmem:s26+$0xFFFFFF80];
	(pc) =	sbr.rel @p0 .LBB2_7-.Ltmp2, $4  }
0x8b: {  	v8 =	vld [tilespmem:s26+$0xFFFFFFB0]  }
0x8c: {  	v4 =	vadd.f32 v4, v10;
	v7 =	vadd.f32 v7, v14;
	v10 =	vld [tilespmem:s26+$0xFFFFFFC0]  }
0x8d: {  	v14 =	vadd.f32 v9, v5;
	v15 =	vadd.f32 v15, v6;
	v9 =	vld [tilespmem:s26+$0xFFFFFFF0]  }
0x8e: {  	v16 =	vadd.f32 v16, v4;
	v17 =	vadd.f32 v12, v7;
	v12 =	vld [tilespmem:s26+$0x0];
	s26 =	sadd.s32 $0x100, s26  }
0x8f: {  	s25 =	sadd.s32 $0x270, s23  }
0x90: {  	[tilespmem:s13], [sflag:$0x3] =	stream.indirect.gather [hbm4b:s3+s8], $0x40, s25, s8, $0xb8;
	[tilespmem:$0xEC00] =	vst v63  }
0x91: {  	_ =	swait.ge [sflag:s19], $0x1900  }
0x92: {  	[sflag:s19] =	ssyncset.done $0x0  }
0x93: {  	s26 =	simm.s32 $0xB300;
	[sflag:s19] =	ssyncadd.s32 $0xFFFFE700  }
0x94: {  	v4 =	vld [tilespmem:s26+$0xC0]  }
0x95: {  	v5 =	vld [tilespmem:s26+$0xD0]  }
0x96: {  	v6 =	vld [tilespmem:s26+$0x80]  }
0x97: {  	v7 =	vld [tilespmem:s26+$0x90]  }
0x98: {  	v18 =	vld [tilespmem:s26+$0x40]  }
0x99: {  	v19 =	vld [tilespmem:s26+$0x50]  }
0x9a: {  	v20 =	vld [tilespmem:s26+$0x0]  }
0x9b: {  	v21 =	vld [tilespmem:s26+$0x10]  }
0x9c: {  	v11 =	vadd.f32 v11, v14;
	v13 =	vadd.f32 v13, v15;
	v14 =	vld [tilespmem:s26+$0x20]  }
0x9d: {  	v15 =	vadd.f32 v2, v16;
	v3 =	vadd.f32 v3, v17;
	v63 =	vld [tilespmem:s26+$0x30]  }
0x9e: {  	v11 =	vadd.f32 v8, v11;
	v10 =	vadd.f32 v10, v13;
	v2 =	vld [tilespmem:s26+$0x60]  }
0x9f: {  	v13 =	vadd.f32 v0, v15;
	v1 =	vadd.f32 v1, v3;
	v8 =	vld [tilespmem:s26+$0x70]  }
0xa0: {  	v9 =	vadd.f32 v9, v11;
	v10 =	vadd.f32 v12, v10;
	v0 =	vld [tilespmem:s26+$0xA0]  }
0xa1: {  	v3 =	vld [tilespmem:s26+$0xB0];
	v12 =	vadd.f32 v20, v13;
	v15 =	vadd.f32 v21, v1  }
0xa2: {  	v11 =	vadd.f32 v14, v9;
	v10 =	vadd.f32 v63, v10;
	v1 =	vld [tilespmem:s26+$0xE0]  }
0xa3: {  	s25 =	simm.s32 $0x0;
	v9 =	vld [tilespmem:s26+$0xF0];
	s26 =	simm.s32 $0xB400;
	v13 =	vadd.f32 v18, v12;
	v12 =	vadd.f32 v19, v15  }
.LBB2_9:
0xa4: {  	v14 =	vld [tilespmem:s26+$0xC0];
	v2 =	vadd.f32 v2, v11;
	v8 =	vadd.f32 v8, v10  }
0xa5: {  	v10 =	vld [tilespmem:s26+$0xD0];
	v11 =	vadd.f32 v6, v13;
	v12 =	vadd.f32 v7, v12  }
0xa6: {  	v6 =	vld [tilespmem:s26+$0x80];
	v0 =	vadd.f32 v0, v2;
	v2 =	vadd.f32 v3, v8  }
0xa7: {  	v7 =	vld [tilespmem:s26+$0x90];
	v3 =	vadd.f32 v4, v11;
	v11 =	vadd.f32 v5, v12  }
0xa8: {  	v12 =	vld [tilespmem:s26+$0x40];
	v1 =	vadd.f32 v1, v0;
	v9 =	vadd.f32 v9, v2  }
0xa9: {  	v15 =	vld [tilespmem:s26+$0x50];
	v4 =	vmov v14  }
0xaa: {  	v13 =	vld [tilespmem:s26+$0x0];
	v5 =	vmov v10  }
0xab: {  	v10 =	vld [tilespmem:s26+$0x10]  }
0xac: {  	v14 =	vld [tilespmem:s26+$0x20]  }
0xad: {  	s25 =	sadd.s32 $0x4, s25;
	v16 =	vld [tilespmem:s26+$0x30]  }
0xae: {  	p0 =	slt.u32 s25, $0x60;
	v2 =	vld [tilespmem:s26+$0x60]  }
.Ltmp3:
0xaf: {  	v8 =	vld [tilespmem:s26+$0x70];
	(pc) =	sbr.rel @p0 .LBB2_9-.Ltmp3, $4  }
0xb0: {  	v0 =	vld [tilespmem:s26+$0xA0]  }
0xb1: {  	v13 =	vadd.f32 v13, v3;
	v17 =	vadd.f32 v10, v11;
	v3 =	vld [tilespmem:s26+$0xB0]  }
0xb2: {  	v11 =	vadd.f32 v14, v1;
	v10 =	vadd.f32 v16, v9;
	v1 =	vld [tilespmem:s26+$0xE0]  }
0xb3: {  	v13 =	vadd.f32 v12, v13;
	v12 =	vadd.f32 v15, v17;
	v9 =	vld [tilespmem:s26+$0xF0];
	s26 =	sadd.s32 $0x100, s26  }
0xb4: {  	_ = 	snop  }
0xb5: {  	v2 =	vadd.f32 v2, v11;
	s23 =	sadd.s32 $0x2D8, s23;
	s22 =	sadd.s32 $0x1, s22;
	v6 =	vadd.f32 v6, v13  }
0xb6: {  	v8 =	vadd.f32 v8, v10;
	v7 =	vadd.f32 v7, v12;
	[tilespmem:s15], [sflag:$0x4] =	stream.indirect.gather [hbm4b:s3+s8], $0x40, s23, s8, $0xb8;
	[tilespmem:$0xEC00] =	vst v63  }
0xb7: {  	p0 =	sne.s32 s22, $0x3F;
	v0 =	vadd.f32 v0, v2;
	v61 =	vadd.f32 v4, v6  }
.Ltmp4:
0xb8: {  	v3 =	vadd.f32 v3, v8;
	v62 =	vadd.f32 v5, v7;
	(pc) =	sbr.rel @p0 .LBB2_2-.Ltmp4, $4  }
0xb9: {  	v0 =	vadd.f32 v1, v0;
	[tilespmem:s24+$0xCC40] =	vst v61  }
0xba: {  	v63 =	vadd.f32 v9, v3;
	[tilespmem:s24+$0xCC50] =	vst v62  }
0xbb: {  	[tilespmem:s24+$0xCC60] =	vst v0  }
0xbc: {  	[tilespmem:s24+$0xCC70] =	vst v63  }
0xbd: {  	_ =	swait.ge [sflag:s16], $0x1900  }
0xbe: {  	[sflag:s16] =	ssyncset.done $0x0  }
0xbf: {  	s23 =	simm.s32 $0x6880;
	[sflag:s16] =	ssyncadd.s32 $0xFFFFE700  }
0xc0: {  	v0 =	vld [tilespmem:s23+$0x40]  }
0xc1: {  	v1 =	vld [tilespmem:s23+$0x50]  }
0xc2: {  	v2 =	vld [tilespmem:s23+$0x0]  }
0xc3: {  	v3 =	vld [tilespmem:s23+$0x10]  }
0xc4: {  	v4 =	vld [tilespmem:s23+$0xFFFFFFC0]  }
0xc5: {  	v5 =	vld [tilespmem:s23+$0xFFFFFFD0]  }
0xc6: {  	v6 =	vld [tilespmem:s23+$0xFFFFFF80]  }
0xc7: {  	v7 =	vld [tilespmem:s23+$0xFFFFFF90]  }
0xc8: {  	v9 =	vld [tilespmem:s23+$0xFFFFFFA0]  }
0xc9: {  	v12 =	vld [tilespmem:s23+$0xFFFFFFB0]  }
0xca: {  	v11 =	vld [tilespmem:s23+$0xFFFFFFE0]  }
0xcb: {  	v13 =	vld [tilespmem:s23+$0xFFFFFFF0]  }
0xcc: {  	v15 =	vimm.f32 $0.0e+00;
	v8 =	vld [tilespmem:s23+$0x20]  }
0xcd: {  	v10 =	vld [tilespmem:s23+$0x30];
	v6 =	vadd.f32 v6, v15;
	v7 =	vadd.f32 v7, v15  }
0xce: {  	v14 =	vadd.f32 v9, v15;
	v15 =	vadd.f32 v12, v15;
	v9 =	vld [tilespmem:s23+$0x60]  }
0xcf: {  	s22 =	simm.s32 $0x0;
	v12 =	vld [tilespmem:s23+$0x70];
	s23 =	simm.s32 $0x6980;
	v16 =	vadd.f32 v4, v6;
	v17 =	vadd.f32 v5, v7  }
.LBB2_12:
0xd0: {  	v4 =	vld [tilespmem:s23+$0x40];
	v5 =	vadd.f32 v11, v14;
	v6 =	vadd.f32 v13, v15  }
0xd1: {  	v7 =	vld [tilespmem:s23+$0x50];
	v11 =	vadd.f32 v2, v16;
	v13 =	vadd.f32 v3, v17  }
0xd2: {  	v2 =	vld [tilespmem:s23+$0x0];
	v5 =	vadd.f32 v8, v5;
	v6 =	vadd.f32 v10, v6  }
0xd3: {  	v3 =	vld [tilespmem:s23+$0x10];
	v10 =	vadd.f32 v0, v11;
	v14 =	vadd.f32 v1, v13  }
0xd4: {  	v16 =	vld [tilespmem:s23+$0xFFFFFFC0];
	v5 =	vadd.f32 v9, v5;
	v6 =	vadd.f32 v12, v6  }
0xd5: {  	v12 =	vld [tilespmem:s23+$0xFFFFFFD0];
	v0 =	vmov v4  }
0xd6: {  	v4 =	vld [tilespmem:s23+$0xFFFFFF80];
	v1 =	vmov v7  }
0xd7: {  	v7 =	vld [tilespmem:s23+$0xFFFFFF90]  }
0xd8: {  	v9 =	vld [tilespmem:s23+$0xFFFFFFA0]  }
0xd9: {  	s22 =	sadd.s32 $0x4, s22;
	v15 =	vld [tilespmem:s23+$0xFFFFFFB0]  }
0xda: {  	p0 =	slt.u32 s22, $0x60;
	v11 =	vld [tilespmem:s23+$0xFFFFFFE0]  }
.Ltmp5:
0xdb: {  	v13 =	vld [tilespmem:s23+$0xFFFFFFF0];
	(pc) =	sbr.rel @p0 .LBB2_12-.Ltmp5, $4  }
0xdc: {  	v8 =	vld [tilespmem:s23+$0x20]  }
0xdd: {  	v4 =	vadd.f32 v4, v10;
	v7 =	vadd.f32 v7, v14;
	v10 =	vld [tilespmem:s23+$0x30]  }
0xde: {  	v14 =	vadd.f32 v9, v5;
	v15 =	vadd.f32 v15, v6;
	v9 =	vld [tilespmem:s23+$0x60]  }
0xdf: {  	v16 =	vadd.f32 v16, v4;
	v17 =	vadd.f32 v12, v7;
	v12 =	vld [tilespmem:s23+$0x70];
	s23 =	sadd.s32 $0x100, s23  }
0xe0: {  	_ =	swait.ge [sflag:s17], $0x1900  }
0xe1: {  	[sflag:s17] =	ssyncset.done $0x0  }
0xe2: {  	s23 =	simm.s32 $0x81F0;
	[sflag:s17] =	ssyncadd.s32 $0xFFFFE700  }
0xe3: {  	v4 =	vld [tilespmem:s23+$0xFFFFFFD0]  }
0xe4: {  	v5 =	vld [tilespmem:s23+$0xFFFFFFE0]  }
0xe5: {  	v6 =	vld [tilespmem:s23+$0xFFFFFF90]  }
0xe6: {  	v7 =	vld [tilespmem:s23+$0xFFFFFFA0]  }
0xe7: {  	v18 =	vld [tilespmem:s23+$0xFFFFFF50]  }
0xe8: {  	v19 =	vld [tilespmem:s23+$0xFFFFFF60]  }
0xe9: {  	v20 =	vld [tilespmem:s23+$0xFFFFFF10]  }
0xea: {  	v21 =	vld [tilespmem:s23+$0xFFFFFF20]  }
0xeb: {  	v11 =	vadd.f32 v11, v14;
	v13 =	vadd.f32 v13, v15;
	v14 =	vld [tilespmem:s23+$0xFFFFFF30]  }
0xec: {  	v15 =	vadd.f32 v2, v16;
	v3 =	vadd.f32 v3, v17;
	v63 =	vld [tilespmem:s23+$0xFFFFFF40]  }
0xed: {  	v8 =	vadd.f32 v8, v11;
	v10 =	vadd.f32 v10, v13;
	v2 =	vld [tilespmem:s23+$0xFFFFFF70]  }
0xee: {  	v11 =	vadd.f32 v0, v15;
	v1 =	vadd.f32 v1, v3;
	v3 =	vld [tilespmem:s23+$0xFFFFFF80]  }
0xef: {  	v0 =	vld [tilespmem:s23+$0xFFFFFFB0];
	v9 =	vadd.f32 v9, v8;
	v10 =	vadd.f32 v12, v10  }
0xf0: {  	v8 =	vld [tilespmem:s23+$0xFFFFFFC0];
	v12 =	vadd.f32 v20, v11;
	v15 =	vadd.f32 v21, v1  }
0xf1: {  	v11 =	vadd.f32 v14, v9;
	v10 =	vadd.f32 v63, v10;
	v1 =	vld [tilespmem:s23+$0xFFFFFFF0]  }
0xf2: {  	s22 =	simm.s32 $0x0;
	v9 =	vld [tilespmem:s23+$0x0];
	s23 =	simm.s32 $0x82F0;
	v13 =	vadd.f32 v18, v12;
	v12 =	vadd.f32 v19, v15  }
.LBB2_14:
0xf3: {  	v14 =	vld [tilespmem:s23+$0xFFFFFFD0];
	v2 =	vadd.f32 v2, v11;
	v3 =	vadd.f32 v3, v10  }
0xf4: {  	v10 =	vld [tilespmem:s23+$0xFFFFFFE0];
	v11 =	vadd.f32 v6, v13;
	v12 =	vadd.f32 v7, v12  }
0xf5: {  	v6 =	vld [tilespmem:s23+$0xFFFFFF90];
	v0 =	vadd.f32 v0, v2;
	v2 =	vadd.f32 v8, v3  }
0xf6: {  	v7 =	vld [tilespmem:s23+$0xFFFFFFA0];
	v8 =	vadd.f32 v4, v11;
	v11 =	vadd.f32 v5, v12  }
0xf7: {  	v12 =	vld [tilespmem:s23+$0xFFFFFF50];
	v1 =	vadd.f32 v1, v0;
	v9 =	vadd.f32 v9, v2  }
0xf8: {  	v15 =	vld [tilespmem:s23+$0xFFFFFF60];
	v4 =	vmov v14  }
0xf9: {  	v13 =	vld [tilespmem:s23+$0xFFFFFF10];
	v5 =	vmov v10  }
0xfa: {  	v10 =	vld [tilespmem:s23+$0xFFFFFF20]  }
0xfb: {  	v14 =	vld [tilespmem:s23+$0xFFFFFF30]  }
0xfc: {  	s22 =	sadd.s32 $0x4, s22;
	v16 =	vld [tilespmem:s23+$0xFFFFFF40]  }
0xfd: {  	p0 =	slt.u32 s22, $0x60;
	v2 =	vld [tilespmem:s23+$0xFFFFFF70]  }
.Ltmp6:
0xfe: {  	v3 =	vld [tilespmem:s23+$0xFFFFFF80];
	(pc) =	sbr.rel @p0 .LBB2_14-.Ltmp6, $4  }
0xff: {  	v0 =	vld [tilespmem:s23+$0xFFFFFFB0]  }
0x100: {  	v13 =	vadd.f32 v13, v8;
	v17 =	vadd.f32 v10, v11;
	v8 =	vld [tilespmem:s23+$0xFFFFFFC0]  }
0x101: {  	v11 =	vadd.f32 v14, v1;
	v10 =	vadd.f32 v16, v9;
	v1 =	vld [tilespmem:s23+$0xFFFFFFF0]  }
0x102: {  	v13 =	vadd.f32 v12, v13;
	v12 =	vadd.f32 v15, v17;
	v9 =	vld [tilespmem:s23+$0x0];
	s23 =	sadd.s32 $0x100, s23  }
0x103: {  	_ = 	snop  }
0x104: {  	v2 =	vadd.f32 v2, v11;
	v6 =	vadd.f32 v6, v13  }
0x105: {  	v3 =	vadd.f32 v3, v10;
	v7 =	vadd.f32 v7, v12  }
0x106: {  	v0 =	vadd.f32 v0, v2;
	v2 =	vadd.f32 v4, v6  }
0x107: {  	v3 =	vadd.f32 v8, v3;
	v4 =	vadd.f32 v5, v7  }
0x108: {  	v0 =	vadd.f32 v1, v0;
	[tilespmem:$0xEB80] =	vst v2  }
0x109: {  	v1 =	vadd.f32 v9, v3;
	[tilespmem:$0xEB90] =	vst v4  }
0x10a: {  	[tilespmem:$0xEBA0] =	vst v0  }
0x10b: {  	[tilespmem:$0xEBB0] =	vst v1  }
0x10c: {  	_ =	swait.ge [sflag:s18], $0x1900  }
0x10d: {  	[sflag:s18] =	ssyncset.done $0x0  }
0x10e: {  	s23 =	simm.s32 $0x9AF0;
	[sflag:s18] =	ssyncadd.s32 $0xFFFFE700  }
0x10f: {  	v0 =	vld [tilespmem:s23+$0xFFFFFFD0]  }
0x110: {  	v1 =	vld [tilespmem:s23+$0xFFFFFFE0]  }
0x111: {  	v2 =	vld [tilespmem:s23+$0xFFFFFF90]  }
0x112: {  	v3 =	vld [tilespmem:s23+$0xFFFFFFA0]  }
0x113: {  	v4 =	vld [tilespmem:s23+$0xFFFFFF50]  }
0x114: {  	v5 =	vld [tilespmem:s23+$0xFFFFFF60]  }
0x115: {  	v6 =	vld [tilespmem:s23+$0xFFFFFF10]  }
0x116: {  	v7 =	vld [tilespmem:s23+$0xFFFFFF20]  }
0x117: {  	v9 =	vld [tilespmem:s23+$0xFFFFFF30]  }
0x118: {  	v12 =	vld [tilespmem:s23+$0xFFFFFF40]  }
0x119: {  	v11 =	vld [tilespmem:s23+$0xFFFFFF70]  }
0x11a: {  	v13 =	vld [tilespmem:s23+$0xFFFFFF80]  }
0x11b: {  	v15 =	vimm.f32 $0.0e+00;
	v8 =	vld [tilespmem:s23+$0xFFFFFFB0]  }
0x11c: {  	v10 =	vld [tilespmem:s23+$0xFFFFFFC0];
	v6 =	vadd.f32 v6, v15;
	v7 =	vadd.f32 v7, v15  }
0x11d: {  	v14 =	vadd.f32 v9, v15;
	v15 =	vadd.f32 v12, v15;
	v9 =	vld [tilespmem:s23+$0xFFFFFFF0]  }
0x11e: {  	s22 =	simm.s32 $0x0;
	v12 =	vld [tilespmem:s23+$0x0];
	s23 =	simm.s32 $0x9BF0;
	v16 =	vadd.f32 v4, v6;
	v17 =	vadd.f32 v5, v7  }
.LBB2_16:
0x11f: {  	v4 =	vld [tilespmem:s23+$0xFFFFFFD0];
	v5 =	vadd.f32 v11, v14;
	v6 =	vadd.f32 v13, v15  }
0x120: {  	v7 =	vld [tilespmem:s23+$0xFFFFFFE0];
	v11 =	vadd.f32 v2, v16;
	v13 =	vadd.f32 v3, v17  }
0x121: {  	v2 =	vld [tilespmem:s23+$0xFFFFFF90];
	v5 =	vadd.f32 v8, v5;
	v6 =	vadd.f32 v10, v6  }
0x122: {  	v3 =	vld [tilespmem:s23+$0xFFFFFFA0];
	v10 =	vadd.f32 v0, v11;
	v14 =	vadd.f32 v1, v13  }
0x123: {  	v16 =	vld [tilespmem:s23+$0xFFFFFF50];
	v5 =	vadd.f32 v9, v5;
	v6 =	vadd.f32 v12, v6  }
0x124: {  	v12 =	vld [tilespmem:s23+$0xFFFFFF60];
	v0 =	vmov v4  }
0x125: {  	v4 =	vld [tilespmem:s23+$0xFFFFFF10];
	v1 =	vmov v7  }
0x126: {  	v7 =	vld [tilespmem:s23+$0xFFFFFF20]  }
0x127: {  	v9 =	vld [tilespmem:s23+$0xFFFFFF30]  }
0x128: {  	s22 =	sadd.s32 $0x4, s22;
	v15 =	vld [tilespmem:s23+$0xFFFFFF40]  }
0x129: {  	p0 =	slt.u32 s22, $0x60;
	v11 =	vld [tilespmem:s23+$0xFFFFFF70]  }
.Ltmp7:
0x12a: {  	v13 =	vld [tilespmem:s23+$0xFFFFFF80];
	(pc) =	sbr.rel @p0 .LBB2_16-.Ltmp7, $4  }
0x12b: {  	v8 =	vld [tilespmem:s23+$0xFFFFFFB0]  }
0x12c: {  	v4 =	vadd.f32 v4, v10;
	v7 =	vadd.f32 v7, v14;
	v10 =	vld [tilespmem:s23+$0xFFFFFFC0]  }
0x12d: {  	v14 =	vadd.f32 v9, v5;
	v15 =	vadd.f32 v15, v6;
	v9 =	vld [tilespmem:s23+$0xFFFFFFF0]  }
0x12e: {  	v16 =	vadd.f32 v16, v4;
	v17 =	vadd.f32 v12, v7;
	v12 =	vld [tilespmem:s23+$0x0];
	s23 =	sadd.s32 $0x100, s23  }
0x12f: {  	_ =	swait.ge [sflag:s19], $0x1900  }
0x130: {  	[sflag:s19] =	ssyncset.done $0x0  }
0x131: {  	s23 =	simm.s32 $0xB300;
	[sflag:s19] =	ssyncadd.s32 $0xFFFFE700  }
0x132: {  	v4 =	vld [tilespmem:s23+$0xC0]  }
0x133: {  	v5 =	vld [tilespmem:s23+$0xD0]  }
0x134: {  	v6 =	vld [tilespmem:s23+$0x80]  }
0x135: {  	v7 =	vld [tilespmem:s23+$0x90]  }
0x136: {  	v18 =	vld [tilespmem:s23+$0x40]  }
0x137: {  	v19 =	vld [tilespmem:s23+$0x50]  }
0x138: {  	v20 =	vld [tilespmem:s23+$0x0]  }
0x139: {  	v21 =	vld [tilespmem:s23+$0x10]  }
0x13a: {  	v11 =	vadd.f32 v11, v14;
	v13 =	vadd.f32 v13, v15;
	v14 =	vld [tilespmem:s23+$0x20]  }
0x13b: {  	v15 =	vadd.f32 v2, v16;
	v3 =	vadd.f32 v3, v17;
	v63 =	vld [tilespmem:s23+$0x30]  }
0x13c: {  	v8 =	vadd.f32 v8, v11;
	v10 =	vadd.f32 v10, v13;
	v2 =	vld [tilespmem:s23+$0x60]  }
0x13d: {  	v11 =	vadd.f32 v0, v15;
	v1 =	vadd.f32 v1, v3;
	v3 =	vld [tilespmem:s23+$0x70]  }
0x13e: {  	v0 =	vld [tilespmem:s23+$0xA0];
	v9 =	vadd.f32 v9, v8;
	v10 =	vadd.f32 v12, v10  }
0x13f: {  	v8 =	vld [tilespmem:s23+$0xB0];
	v12 =	vadd.f32 v20, v11;
	v15 =	vadd.f32 v21, v1  }
0x140: {  	v11 =	vadd.f32 v14, v9;
	v10 =	vadd.f32 v63, v10;
	v1 =	vld [tilespmem:s23+$0xE0]  }
0x141: {  	s22 =	simm.s32 $0x0;
	v9 =	vld [tilespmem:s23+$0xF0];
	s23 =	simm.s32 $0xB400;
	v13 =	vadd.f32 v18, v12;
	v12 =	vadd.f32 v19, v15  }
.LBB2_18:
0x142: {  	v14 =	vld [tilespmem:s23+$0xC0];
	v2 =	vadd.f32 v2, v11;
	v3 =	vadd.f32 v3, v10  }
0x143: {  	v10 =	vld [tilespmem:s23+$0xD0];
	v11 =	vadd.f32 v6, v13;
	v12 =	vadd.f32 v7, v12  }
0x144: {  	v6 =	vld [tilespmem:s23+$0x80];
	v0 =	vadd.f32 v0, v2;
	v2 =	vadd.f32 v8, v3  }
0x145: {  	v7 =	vld [tilespmem:s23+$0x90];
	v8 =	vadd.f32 v4, v11;
	v11 =	vadd.f32 v5, v12  }
0x146: {  	v12 =	vld [tilespmem:s23+$0x40];
	v1 =	vadd.f32 v1, v0;
	v9 =	vadd.f32 v9, v2  }
0x147: {  	v15 =	vld [tilespmem:s23+$0x50];
	v4 =	vmov v14  }
0x148: {  	v13 =	vld [tilespmem:s23+$0x0];
	v5 =	vmov v10  }
0x149: {  	v10 =	vld [tilespmem:s23+$0x10]  }
0x14a: {  	v14 =	vld [tilespmem:s23+$0x20]  }
0x14b: {  	s22 =	sadd.s32 $0x4, s22;
	v16 =	vld [tilespmem:s23+$0x30]  }
0x14c: {  	p0 =	slt.u32 s22, $0x60;
	v2 =	vld [tilespmem:s23+$0x60]  }
.Ltmp8:
0x14d: {  	v3 =	vld [tilespmem:s23+$0x70];
	(pc) =	sbr.rel @p0 .LBB2_18-.Ltmp8, $4  }
0x14e: {  	v0 =	vld [tilespmem:s23+$0xA0]  }
0x14f: {  	v13 =	vadd.f32 v13, v8;
	v17 =	vadd.f32 v10, v11;
	v8 =	vld [tilespmem:s23+$0xB0]  }
0x150: {  	v11 =	vadd.f32 v14, v1;
	v10 =	vadd.f32 v16, v9;
	v1 =	vld [tilespmem:s23+$0xE0]  }
0x151: {  	v13 =	vadd.f32 v12, v13;
	v12 =	vadd.f32 v15, v17;
	v9 =	vld [tilespmem:s23+$0xF0];
	s23 =	sadd.s32 $0x100, s23  }
0x152: {  	_ = 	snop  }
0x153: {  	v2 =	vadd.f32 v2, v11;
	v6 =	vadd.f32 v6, v13  }
0x154: {  	v3 =	vadd.f32 v3, v10;
	v7 =	vadd.f32 v7, v12  }
0x155: {  	v0 =	vadd.f32 v0, v2;
	v61 =	vadd.f32 v4, v6  }
0x156: {  	v3 =	vadd.f32 v8, v3;
	v62 =	vadd.f32 v5, v7  }
0x157: {  	v0 =	vadd.f32 v1, v0;
	[tilespmem:$0xEBC0] =	vst v61  }
0x158: {  	s21 =	sadd.s32 $0x1, s21;
	v63 =	vadd.f32 v9, v3;
	[tilespmem:$0xEBD0] =	vst v62  }
0x159: {  	p0 =	sne.s32 s21, s6;
	[tilespmem:$0xEBE0] =	vst v0  }
.Ltmp9:
0x15a: {  	[tilespmem:$0xEBF0] =	vst v63;
	(pc) =	sbr.rel @p0 .LBB2_1-.Ltmp9, $4  }
0x15b: {  	[hbm4b:s5+s2] =	stream.linear.scatter [tilespmem:s20], [sflag:$0x5], $0x2000, $0x38;
	[tilespmem:$0xEC00] =	vst v63  }
0x15c: {  	_ =	swait.ge [sflag:s7], $0x2000  }
0x15d: {  	[sflag:s7] =	ssyncset.done $0x0  }
0x15e: {  	[sflag:s7] =	ssyncadd.s32 $0xFFFFE000  }
0x15f: {  	_ =	sfence.sel $0x180000  }
0x160: {  	[bflag:$0x0] =	sbarrier.arrive $0xFFFF  }
0x161: {  	p0 =	sne.s32 s0, $0x0;
	_ =	strace $0x90000047  }
0x162: {  	s0 =	sadd.s32 @!p0 $0x100000, s1;
	[bflag:$0x2] =	sbarrier.arrive $0xFFFF  }
0x163: {  	[sflag:s0] =	ssyncadd.tile.s32 @!p0 $0x1;
	_ =	shalt  }
.Lfunc_end2:
_tile_overlayer_lowered:
.L_overlay_start_2:
0x164: {  	(tag) =	ssettag $0x2  }
0x165: {  	s0 =	rddreg [dreg:$0x0];
	s2 =	stileid.u32  }
0x166: {  	s1 =	rddreg [dreg:$0x1];
	p0 =	sne.s32 s2, $0x0  }
0x167: {  	s3 =	rddreg [dreg:$0x2];
	[bflag:$0x3] =	sbarrier.arrive $0xFFFF;
	s2 =	simm.s32 @!p0 $0x1C05  }
0x168: {  	[timem:s3], [sflag:s2] =	dma.local @!p0 [hbm:s0], s1  }
0x169: {  	s0 =	simm.s32 @!p0 $0x5  }
0x16a: {  	_ =	swait.ge @!p0 [sflag:s0], s1  }
0x16b: {  	s1 =	ssub.s32 @!p0 $0x0, s1;
	[sflag:s0] =	ssyncset.done @!p0 $0x0  }
0x16c: {  	[sflag:s0] =	ssyncadd.s32 @!p0 s1  }
0x16d: {  	[bflag:$0x3] =	sbarrier.arrive $0xFFFF  }
0x16e: {  	_ =	shalt  }

</sc_bundles>
